<compile_context>
chip_gen: v7x
topology: tpu7x:2x2x1
jax: 0.10.2.dev20260603
libtpu: 0.0.44.dev20260713+nightly
codegen_flags: <defaults>
</compile_context>

<pallas_src>
import jax
import jax.numpy as jnp
from jax import lax
from jax.experimental import pallas as pl
from jax.experimental.pallas import tpu as pltpu
from jax.experimental.pallas import tpu_sc as plsc

VOCAB = 100000
D = 60
DP = 128
P = 62
B, L = 4096, 200
N = B * L

NC, NS = 2, 16
NW = NC * NS
TPW = N // NW
CB = 128
G = 128
NG = CB // G
NCHUNK = TPW // CB


def _emb_body(word_h, head_h, tail_h, wt_h, comb_h, out_h,
              iw, ih, it, ic, w_buf, c_buf, o_buf,
              sem_i, sem_w, sem_c, sem_o):
    core = lax.axis_index("c")
    sub = lax.axis_index("s")
    wid = sub * NC + core
    base = wid * TPW

    def load_idx(off, nb):
        pltpu.async_copy(word_h.at[pl.ds(off, CB)], iw.at[nb], sem_i)
        pltpu.async_copy(head_h.at[pl.ds(off, CB)], ih.at[nb], sem_i)
        pltpu.async_copy(tail_h.at[pl.ds(off, CB)], it.at[nb], sem_i)

    def wait_idx(nb):
        for r in (iw, ih, it):
            pltpu.make_async_copy(word_h.at[pl.ds(0, CB)], r.at[nb], sem_i).wait()

    def compute_ic(nb):
        @plsc.parallel_loop(0, CB // 16, unroll=4)
        def _(i):
            j = i * 16
            w = iw[nb, pl.ds(j, 16)]
            h = ih[nb, pl.ds(j, 16)]
            t = it[nb, pl.ds(j, 16)]
            ic[nb, pl.ds(j, 16)] = h * P + t + jnp.where(w == 0, P * P, 0)

    def fire_gathers(nb):
        for j in range(NG):
            pltpu.async_copy(wt_h.at[iw.at[nb, pl.ds(j * G, G)]],
                             w_buf.at[nb, pl.ds(j * G, G)], sem_w)
            pltpu.async_copy(comb_h.at[ic.at[nb, pl.ds(j * G, G)]],
                             c_buf.at[nb, pl.ds(j * G, G)], sem_c)

    def wait_gathers(nb):
        for j in range(NG):
            pltpu.make_async_copy(wt_h.at[iw.at[nb, pl.ds(j * G, G)]],
                                  w_buf.at[nb, pl.ds(j * G, G)], sem_w).wait()
            pltpu.make_async_copy(comb_h.at[ic.at[nb, pl.ds(j * G, G)]],
                                  c_buf.at[nb, pl.ds(j * G, G)], sem_c).wait()

    def drain_store():
        pltpu.make_async_copy(o_buf.at[0], out_h.at[pl.ds(0, CB)], sem_o).wait()

    load_idx(base, 0)
    wait_idx(0)
    compute_ic(0)
    fire_gathers(0)
    load_idx(base + CB, 1)

    @pl.loop(0, NCHUNK, step=2)
    def _(g0):
        for b in range(2):
            nb = 1 - b
            g = g0 + b
            off = base + g * CB

            wait_gathers(b)

            @pl.when(g < NCHUNK - 1)
            def _():
                wait_idx(nb)
                compute_ic(nb)
                fire_gathers(nb)

            @pl.when(g < NCHUNK - 2)
            def _():
                load_idx(off + 2 * CB, b)

            @pl.when(g >= 2)
            def _():
                drain_store()

            @plsc.parallel_loop(0, CB, unroll=8)
            def _(r):
                o_buf[b, r, pl.ds(0, 16)] = (
                    w_buf[b, r, pl.ds(0, 16)] + c_buf[b, r, pl.ds(0, 16)])
                o_buf[b, r, pl.ds(16, 16)] = (
                    w_buf[b, r, pl.ds(16, 16)] + c_buf[b, r, pl.ds(16, 16)])
                o_buf[b, r, pl.ds(32, 16)] = (
                    w_buf[b, r, pl.ds(32, 16)] + c_buf[b, r, pl.ds(32, 16)])
                o_buf[b, r, pl.ds(44, 16)] = (
                    w_buf[b, r, pl.ds(44, 16)] + c_buf[b, r, pl.ds(44, 16)])

            pltpu.async_copy(o_buf.at[b], out_h.at[pl.ds(off, CB)], sem_o)

    drain_store()
    drain_store()


@jax.jit
def _emb(word, head, tail, wt, comb):
    mesh = plsc.VectorSubcoreMesh(core_axis_name="c", subcore_axis_name="s")
    f = pl.kernel(
        _emb_body,
        mesh=mesh,
        out_type=jax.ShapeDtypeStruct((N, D), jnp.float32),
        scratch_types=[
            pltpu.VMEM((2, CB), jnp.int32),
            pltpu.VMEM((2, CB), jnp.int32),
            pltpu.VMEM((2, CB), jnp.int32),
            pltpu.VMEM((2, CB), jnp.int32),
            pltpu.VMEM((2, CB, DP), jnp.float32),
            pltpu.VMEM((2, CB, DP), jnp.float32),
            pltpu.VMEM((2, CB, D), jnp.float32),
            pltpu.SemaphoreType.DMA,
            pltpu.SemaphoreType.DMA,
            pltpu.SemaphoreType.DMA,
            pltpu.SemaphoreType.DMA,
        ],
    )
    return f(word, head, tail, wt, comb)


def kernel(word, head, tail, word_table, head_table, tail_table):
    ht0 = head_table.at[0].set(0.0)
    tt0 = tail_table.at[0].set(0.0)
    base = ht0[:, None, :] + tt0[None, :, :]
    base = base.reshape(P * P, D)
    comb = jnp.concatenate([base, base - word_table[0]], axis=0)
    comb = jnp.pad(comb, ((0, 0), (0, DP - D)))
    wt = jnp.pad(word_table, ((0, 0), (0, DP - D)))

    return _emb(
        word.reshape(-1).astype(jnp.int32),
        head.reshape(-1).astype(jnp.int32),
        tail.reshape(-1).astype(jnp.int32),
        wt,
        comb,
    ).reshape(B, L, D)

# --- scband reference (transcript-rebuilt; emitter-appended) ---
"""Pipeline reference for scband-embedding-17386027614390 (READ-ONLY COPY).

The authoritative reference and input builder live on the scoring server;
editing this copy changes nothing except your own understanding.
"""

import jax, jax.numpy as jnp
import numpy as np

VOCAB_SIZE = 100000
WORD_DIM = 60
POS_SIZE = 62
POS_DIM = 60
B, L = 4096, 200

def setup_inputs(seed: int = 0) -> dict:
    key = jax.random.key(seed)
    k1, k2, k3, k4, k5, k6 = jax.random.split(key, 6)
    word = jax.random.randint(k1, (B, L), 0, VOCAB_SIZE, dtype=jnp.int64 if jax.config.read('jax_enable_x64') else jnp.int32)
    head = jax.random.randint(k2, (B, L), 0, POS_SIZE, dtype=word.dtype)
    tail = jax.random.randint(k3, (B, L), 0, POS_SIZE, dtype=word.dtype)
    word_table = jax.random.normal(k4, (VOCAB_SIZE, WORD_DIM), dtype=jnp.float32)
    head_table = jax.random.normal(k5, (POS_SIZE, POS_DIM), dtype=jnp.float32)
    tail_table = jax.random.normal(k6, (POS_SIZE, POS_DIM), dtype=jnp.float32)
    return {
        'word': word, 'head': head, 'tail': tail,
        'word_table': word_table, 'head_table': head_table, 'tail_table': tail_table,
    }

def reference(word, head, tail, word_table, head_table, tail_table):
    # padding_idx=0: row 0 of each table contributes zeros (as in torch nn.Embedding(padding_idx=0))
    wt = word_table.at[0].set(0.0)
    ht = head_table.at[0].set(0.0)
    tt = tail_table.at[0].set(0.0)
    word_embedding = jnp.take(wt, word, axis=0)
    head_embedding = jnp.take(ht, head, axis=0)
    tail_embedding = jnp.take(tt, tail, axis=0)
    # dim_strategy == 'sum'
    return word_embedding + head_embedding + tail_embedding

if __name__ == "__main__":
    import jax
    _d = setup_inputs()
    print(jax.jit(kernel)(*tuple(_d.values())))

</pallas_src>

<mosaic_0001>
#map = affine_map<(d0, d1) -> (0)>
#map1 = affine_map<(d0, d1) -> (0, 0)>
module attributes {stable_mosaic.version = 14 : i64} {
  func.func @_emb_body(%arg0: i32, %arg1: i32, %arg2: memref<819200xi32, #tpu.memory_space<hbm>>, %arg3: memref<819200xi32, #tpu.memory_space<hbm>>, %arg4: memref<819200xi32, #tpu.memory_space<hbm>>, %arg5: memref<100000x128xf32, #tpu.memory_space<hbm>>, %arg6: memref<7688x128xf32, #tpu.memory_space<hbm>>, %arg7: memref<819200x60xf32, #tpu.memory_space<hbm>>, %arg8: memref<2x128xi32, #tpu.memory_space<vmem>>, %arg9: memref<2x128xi32, #tpu.memory_space<vmem>>, %arg10: memref<2x128xi32, #tpu.memory_space<vmem>>, %arg11: memref<2x128xi32, #tpu.memory_space<vmem>>, %arg12: memref<2x128x128xf32, #tpu.memory_space<vmem>>, %arg13: memref<2x128x128xf32, #tpu.memory_space<vmem>>, %arg14: memref<2x128x60xf32, #tpu.memory_space<vmem>>, %arg15: memref<!tpu.dma_semaphore, #tpu.memory_space<semaphore_mem>>, %arg16: memref<!tpu.dma_semaphore, #tpu.memory_space<semaphore_mem>>, %arg17: memref<!tpu.dma_semaphore, #tpu.memory_space<semaphore_mem>>, %arg18: memref<!tpu.dma_semaphore, #tpu.memory_space<semaphore_mem>>) attributes {dimension_semantics = [#tpu.dimension_semantics<core_parallel>, #tpu.dimension_semantics<subcore_parallel>], iteration_bounds = array<i64: 2, 16>, scalar_prefetch = 0 : i64, scratch_operands = 11 : i64, tpu.core_type = #tpu.core_type<sc_vector_subcore>, window_params = [{transform_indices = #map}, {transform_indices = #map}, {transform_indices = #map}, {transform_indices = #map1}, {transform_indices = #map1}, {transform_indices = #map1}]} {
    %mul3A = arith.constant 2 : i32
    %mul3A_0 = arith.muli %arg1, %mul3A : i32
    %add3A = arith.addi %mul3A_0, %arg0 : i32
    %mul3A_1 = arith.constant 25600 : i32
    %mul3A_2 = arith.muli %add3A, %mul3A_1 : i32
    %dma_start3A = arith.constant 0 : i32
    %dma_start3A_3 = arith.constant 0 : i32
    %dma_start3A_4 = tpu.memref_slice %arg8[%dma_start3A, %dma_start3A_3] : memref<2x128xi32, #tpu.memory_space<vmem>> -> memref<1x128xi32, #tpu.memory_space<vmem>>
    %dma_start3A_5 = tpu.memref_squeeze %dma_start3A_4 : memref<1x128xi32, #tpu.memory_space<vmem>> -> memref<128xi32, #tpu.memory_space<vmem>>
    %dma_start3A_6 = tpu.memref_slice %arg2[%mul3A_2] : memref<819200xi32, #tpu.memory_space<hbm>> -> memref<128xi32, #tpu.memory_space<hbm>>
    %dma_start3A_7 = arith.constant 0 : i32
    %dma_start3A_8 = tpu.memref_slice %arg8[%dma_start3A, %dma_start3A_7] : memref<2x128xi32, #tpu.memory_space<vmem>> -> memref<1x128xi32, #tpu.memory_space<vmem>>
    %dma_start3A_9 = tpu.memref_squeeze %dma_start3A_8 : memref<1x128xi32, #tpu.memory_space<vmem>> -> memref<128xi32, #tpu.memory_space<vmem>>
    %dma_start3A_10 = tpu.memref_slice %arg2[%mul3A_2] : memref<819200xi32, #tpu.memory_space<hbm>> -> memref<128xi32, #tpu.memory_space<hbm>>
    tpu.enqueue_dma source(%dma_start3A_10 : memref<128xi32, #tpu.memory_space<hbm>>) target(%dma_start3A_9 : memref<128xi32, #tpu.memory_space<vmem>>) target_semaphore(%arg15 : memref<!tpu.dma_semaphore, #tpu.memory_space<semaphore_mem>>)
    %dma_start3A_11 = arith.constant 0 : i32
    %dma_start3A_12 = arith.constant 0 : i32
    %dma_start3A_13 = tpu.memref_slice %arg9[%dma_start3A_11, %dma_start3A_12] : memref<2x128xi32, #tpu.memory_space<vmem>> -> memref<1x128xi32, #tpu.memory_space<vmem>>
    %dma_start3A_14 = tpu.memref_squeeze %dma_start3A_13 : memref<1x128xi32, #tpu.memory_space<vmem>> -> memref<128xi32, #tpu.memory_space<vmem>>
    %dma_start3A_15 = tpu.memref_slice %arg3[%mul3A_2] : memref<819200xi32, #tpu.memory_space<hbm>> -> memref<128xi32, #tpu.memory_space<hbm>>
    %dma_start3A_16 = arith.constant 0 : i32
    %dma_start3A_17 = tpu.memref_slice %arg9[%dma_start3A_11, %dma_start3A_16] : memref<2x128xi32, #tpu.memory_space<vmem>> -> memref<1x128xi32, #tpu.memory_space<vmem>>
    %dma_start3A_18 = tpu.memref_squeeze %dma_start3A_17 : memref<1x128xi32, #tpu.memory_space<vmem>> -> memref<128xi32, #tpu.memory_space<vmem>>
    %dma_start3A_19 = tpu.memref_slice %arg3[%mul3A_2] : memref<819200xi32, #tpu.memory_space<hbm>> -> memref<128xi32, #tpu.memory_space<hbm>>
    tpu.enqueue_dma source(%dma_start3A_19 : memref<128xi32, #tpu.memory_space<hbm>>) target(%dma_start3A_18 : memref<128xi32, #tpu.memory_space<vmem>>) target_semaphore(%arg15 : memref<!tpu.dma_semaphore, #tpu.memory_space<semaphore_mem>>)
    %dma_start3A_20 = arith.constant 0 : i32
    %dma_start3A_21 = arith.constant 0 : i32
    %dma_start3A_22 = tpu.memref_slice %arg10[%dma_start3A_20, %dma_start3A_21] : memref<2x128xi32, #tpu.memory_space<vmem>> -> memref<1x128xi32, #tpu.memory_space<vmem>>
    %dma_start3A_23 = tpu.memref_squeeze %dma_start3A_22 : memref<1x128xi32, #tpu.memory_space<vmem>> -> memref<128xi32, #tpu.memory_space<vmem>>
    %dma_start3A_24 = tpu.memref_slice %arg4[%mul3A_2] : memref<819200xi32, #tpu.memory_space<hbm>> -> memref<128xi32, #tpu.memory_space<hbm>>
    %dma_start3A_25 = arith.constant 0 : i32
    %dma_start3A_26 = tpu.memref_slice %arg10[%dma_start3A_20, %dma_start3A_25] : memref<2x128xi32, #tpu.memory_space<vmem>> -> memref<1x128xi32, #tpu.memory_space<vmem>>
    %dma_start3A_27 = tpu.memref_squeeze %dma_start3A_26 : memref<1x128xi32, #tpu.memory_space<vmem>> -> memref<128xi32, #tpu.memory_space<vmem>>
    %dma_start3A_28 = tpu.memref_slice %arg4[%mul3A_2] : memref<819200xi32, #tpu.memory_space<hbm>> -> memref<128xi32, #tpu.memory_space<hbm>>
    tpu.enqueue_dma source(%dma_start3A_28 : memref<128xi32, #tpu.memory_space<hbm>>) target(%dma_start3A_27 : memref<128xi32, #tpu.memory_space<vmem>>) target_semaphore(%arg15 : memref<!tpu.dma_semaphore, #tpu.memory_space<semaphore_mem>>)
    %dma_wait3A = arith.constant 0 : i32
    %dma_wait3A_29 = arith.constant 0 : i32
    %dma_wait3A_30 = tpu.memref_slice %arg8[%dma_wait3A, %dma_wait3A_29] : memref<2x128xi32, #tpu.memory_space<vmem>> -> memref<1x128xi32, #tpu.memory_space<vmem>>
    %dma_wait3A_31 = tpu.memref_squeeze %dma_wait3A_30 : memref<1x128xi32, #tpu.memory_space<vmem>> -> memref<128xi32, #tpu.memory_space<vmem>>
    %dma_wait3A_32 = arith.constant 0 : i32
    %dma_wait3A_33 = tpu.memref_slice %arg2[%dma_wait3A_32] : memref<819200xi32, #tpu.memory_space<hbm>> -> memref<128xi32, #tpu.memory_space<hbm>>
    %dma_wait3A_34 = arith.constant 0 : i32
    %dma_wait3A_35 = tpu.memref_slice %arg8[%dma_wait3A, %dma_wait3A_34] : memref<2x128xi32, #tpu.memory_space<vmem>> -> memref<1x128xi32, #tpu.memory_space<vmem>>
    %dma_wait3A_36 = tpu.memref_squeeze %dma_wait3A_35 : memref<1x128xi32, #tpu.memory_space<vmem>> -> memref<128xi32, #tpu.memory_space<vmem>>
    %dma_wait3A_37 = arith.constant 0 : i32
    %dma_wait3A_38 = tpu.memref_slice %arg2[%dma_wait3A_37] : memref<819200xi32, #tpu.memory_space<hbm>> -> memref<128xi32, #tpu.memory_space<hbm>>
    tpu.wait_dma2 semaphore(%arg15 : memref<!tpu.dma_semaphore, #tpu.memory_space<semaphore_mem>>) src(%dma_wait3A_38 : memref<128xi32, #tpu.memory_space<hbm>>) dst(%dma_wait3A_36 : memref<128xi32, #tpu.memory_space<vmem>>)
    %dma_wait3A_39 = arith.constant 0 : i32
    %dma_wait3A_40 = arith.constant 0 : i32
    %dma_wait3A_41 = tpu.memref_slice %arg9[%dma_wait3A_39, %dma_wait3A_40] : memref<2x128xi32, #tpu.memory_space<vmem>> -> memref<1x128xi32, #tpu.memory_space<vmem>>
    %dma_wait3A_42 = tpu.memref_squeeze %dma_wait3A_41 : memref<1x128xi32, #tpu.memory_space<vmem>> -> memref<128xi32, #tpu.memory_space<vmem>>
    %dma_wait3A_43 = arith.constant 0 : i32
    %dma_wait3A_44 = tpu.memref_slice %arg2[%dma_wait3A_43] : memref<819200xi32, #tpu.memory_space<hbm>> -> memref<128xi32, #tpu.memory_space<hbm>>
    %dma_wait3A_45 = arith.constant 0 : i32
    %dma_wait3A_46 = tpu.memref_slice %arg9[%dma_wait3A_39, %dma_wait3A_45] : memref<2x128xi32, #tpu.memory_space<vmem>> -> memref<1x128xi32, #tpu.memory_space<vmem>>
    %dma_wait3A_47 = tpu.memref_squeeze %dma_wait3A_46 : memref<1x128xi32, #tpu.memory_space<vmem>> -> memref<128xi32, #tpu.memory_space<vmem>>
    %dma_wait3A_48 = arith.constant 0 : i32
    %dma_wait3A_49 = tpu.memref_slice %arg2[%dma_wait3A_48] : memref<819200xi32, #tpu.memory_space<hbm>> -> memref<128xi32, #tpu.memory_space<hbm>>
    tpu.wait_dma2 semaphore(%arg15 : memref<!tpu.dma_semaphore, #tpu.memory_space<semaphore_mem>>) src(%dma_wait3A_49 : memref<128xi32, #tpu.memory_space<hbm>>) dst(%dma_wait3A_47 : memref<128xi32, #tpu.memory_space<vmem>>)
    %dma_wait3A_50 = arith.constant 0 : i32
    %dma_wait3A_51 = arith.constant 0 : i32
    %dma_wait3A_52 = tpu.memref_slice %arg10[%dma_wait3A_50, %dma_wait3A_51] : memref<2x128xi32, #tpu.memory_space<vmem>> -> memref<1x128xi32, #tpu.memory_space<vmem>>
    %dma_wait3A_53 = tpu.memref_squeeze %dma_wait3A_52 : memref<1x128xi32, #tpu.memory_space<vmem>> -> memref<128xi32, #tpu.memory_space<vmem>>
    %dma_wait3A_54 = arith.constant 0 : i32
    %dma_wait3A_55 = tpu.memref_slice %arg2[%dma_wait3A_54] : memref<819200xi32, #tpu.memory_space<hbm>> -> memref<128xi32, #tpu.memory_space<hbm>>
    %dma_wait3A_56 = arith.constant 0 : i32
    %dma_wait3A_57 = tpu.memref_slice %arg10[%dma_wait3A_50, %dma_wait3A_56] : memref<2x128xi32, #tpu.memory_space<vmem>> -> memref<1x128xi32, #tpu.memory_space<vmem>>
    %dma_wait3A_58 = tpu.memref_squeeze %dma_wait3A_57 : memref<1x128xi32, #tpu.memory_space<vmem>> -> memref<128xi32, #tpu.memory_space<vmem>>
    %dma_wait3A_59 = arith.constant 0 : i32
    %dma_wait3A_60 = tpu.memref_slice %arg2[%dma_wait3A_59] : memref<819200xi32, #tpu.memory_space<hbm>> -> memref<128xi32, #tpu.memory_space<hbm>>
    tpu.wait_dma2 semaphore(%arg15 : memref<!tpu.dma_semaphore, #tpu.memory_space<semaphore_mem>>) src(%dma_wait3A_60 : memref<128xi32, #tpu.memory_space<hbm>>) dst(%dma_wait3A_58 : memref<128xi32, #tpu.memory_space<vmem>>)
    %parallel_loop3A = arith.constant 0 : i32
    %parallel_loop3A_61 = arith.constant 8 : i32
    %parallel_loop3A_62 = arith.constant 1 : i32
    scf.for %parallel_loop3A_150 = %parallel_loop3A to %parallel_loop3A_61 step %parallel_loop3A_62  : i32 {
      %parallel_loop3A_151 = arith.constant 16 : i32
      %parallel_loop3A_152 = arith.muli %parallel_loop3A_150, %parallel_loop3A_151 : i32
      %parallel_loop3A_153 = arith.constant 0 : i32
      %parallel_loop3A_154 = arith.index_cast %parallel_loop3A_153 : i32 to index
      %parallel_loop3A_155 = arith.index_cast %parallel_loop3A_152 : i32 to index
      %parallel_loop3A_156 = tpu.vector_load %arg8[%parallel_loop3A_154, %parallel_loop3A_155] {strides = array<i32>} : memref<2x128xi32, #tpu.memory_space<vmem>>, vector<1x16xi32>,
      %parallel_loop3A_157 = vector.shape_cast %parallel_loop3A_156 : vector<1x16xi32> to vector<16xi32>
      %parallel_loop3A_158 = arith.constant 0 : i32
      %parallel_loop3A_159 = arith.index_cast %parallel_loop3A_158 : i32 to index
      %parallel_loop3A_160 = arith.index_cast %parallel_loop3A_152 : i32 to index
      %parallel_loop3A_161 = tpu.vector_load %arg9[%parallel_loop3A_159, %parallel_loop3A_160] {strides = array<i32>} : memref<2x128xi32, #tpu.memory_space<vmem>>, vector<1x16xi32>,
      %parallel_loop3A_162 = vector.shape_cast %parallel_loop3A_161 : vector<1x16xi32> to vector<16xi32>
      %parallel_loop3A_163 = arith.constant 0 : i32
      %parallel_loop3A_164 = arith.index_cast %parallel_loop3A_163 : i32 to index
      %parallel_loop3A_165 = arith.index_cast %parallel_loop3A_152 : i32 to index
      %parallel_loop3A_166 = tpu.vector_load %arg10[%parallel_loop3A_164, %parallel_loop3A_165] {strides = array<i32>} : memref<2x128xi32, #tpu.memory_space<vmem>>, vector<1x16xi32>,
      %parallel_loop3A_167 = vector.shape_cast %parallel_loop3A_166 : vector<1x16xi32> to vector<16xi32>
      %parallel_loop3A_168 = arith.constant 62 : i32
      %parallel_loop3A_169 = vector.broadcast %parallel_loop3A_168 : i32 to vector<16xi32>
      %parallel_loop3A_170 = arith.muli %parallel_loop3A_162, %parallel_loop3A_169 : vector<16xi32>
      %parallel_loop3A_171 = arith.addi %parallel_loop3A_170, %parallel_loop3A_167 : vector<16xi32>
      %parallel_loop3A_172 = arith.constant 0 : i32
      %parallel_loop3A_173 = vector.broadcast %parallel_loop3A_172 : i32 to vector<16xi32>
      %parallel_loop3A_174 = arith.cmpi eq, %parallel_loop3A_157, %parallel_loop3A_173 : vector<16xi32>
      %parallel_loop3A_175 = arith.constant 3844 : i32
      %parallel_loop3A_176 = arith.constant 0 : i32
      %parallel_loop3A_177 = vector.broadcast %parallel_loop3A_175 : i32 to vector<16xi32>
      %parallel_loop3A_178 = vector.broadcast %parallel_loop3A_176 : i32 to vector<16xi32>
      %parallel_loop3A_179 = arith.select %parallel_loop3A_174, %parallel_loop3A_177, %parallel_loop3A_178 : vector<16xi1>, vector<16xi32>
      %parallel_loop3A_180 = arith.addi %parallel_loop3A_171, %parallel_loop3A_179 : vector<16xi32>
      %parallel_loop3A_181 = arith.constant 0 : i32
      %parallel_loop3A_182 = arith.index_cast %parallel_loop3A_181 : i32 to index
      %parallel_loop3A_183 = arith.index_cast %parallel_loop3A_152 : i32 to index
      %parallel_loop3A_184 = tpu.vector_load %arg11[%parallel_loop3A_182, %parallel_loop3A_183] {strides = array<i32>} : memref<2x128xi32, #tpu.memory_space<vmem>>, vector<1x16xi32>,
      %parallel_loop3A_185 = vector.shape_cast %parallel_loop3A_184 : vector<1x16xi32> to vector<16xi32>
      %parallel_loop3A_186 = vector.shape_cast %parallel_loop3A_180 : vector<16xi32> to vector<1x16xi32>
      tpu.vector_store %arg11[%parallel_loop3A_182, %parallel_loop3A_183], %parallel_loop3A_186 {strides = array<i32>} : memref<2x128xi32, #tpu.memory_space<vmem>>, vector<1x16xi32>,
    } {sc.loop_unroll_factor = 4 : i64, sc.parallel_access}
    %dma_start3A_63 = arith.constant 0 : i32
    %dma_start3A_64 = arith.constant 0 : i32
    %dma_start3A_65 = arith.constant 0 : i32
    %dma_start3A_66 = arith.constant 0 : i32
    %dma_start3A_67 = tpu.memref_slice %arg12[%dma_start3A_64, %dma_start3A_65, %dma_start3A_66] : memref<2x128x128xf32, #tpu.memory_space<vmem>> -> memref<1x128x128xf32, #tpu.memory_space<vmem>>
    %dma_start3A_68 = tpu.memref_squeeze %dma_start3A_67 : memref<1x128x128xf32, #tpu.memory_space<vmem>> -> memref<128x128xf32, #tpu.memory_space<vmem>>
    %dma_start3A_69 = arith.constant 0 : i32
    %dma_start3A_70 = tpu.memref_slice %arg8[%dma_start3A_63, %dma_start3A_69] : memref<2x128xi32, #tpu.memory_space<vmem>> -> memref<1x128xi32, #tpu.memory_space<vmem>>
    %dma_start3A_71 = tpu.memref_squeeze %dma_start3A_70 : memref<1x128xi32, #tpu.memory_space<vmem>> -> memref<128xi32, #tpu.memory_space<vmem>>
    %dma_start3A_72 = arith.constant 0 : i32
    %dma_start3A_73 = arith.constant 0 : i32
    %dma_start3A_74 = tpu.memref_slice %arg5[%dma_start3A_72, %dma_start3A_73] : memref<100000x128xf32, #tpu.memory_space<hbm>> -> memref<100000x128xf32, #tpu.memory_space<hbm>>
    tpu.enqueue_indirect_dma source(%dma_start3A_74 : memref<100000x128xf32, #tpu.memory_space<hbm>>) target(%dma_start3A_68 : memref<128x128xf32, #tpu.memory_space<vmem>>) offsets(%dma_start3A_71 : memref<128xi32, #tpu.memory_space<vmem>>) semaphore(%arg16 : memref<!tpu.dma_semaphore, #tpu.memory_space<semaphore_mem>>)
    %dma_start3A_75 = arith.constant 0 : i32
    %dma_start3A_76 = arith.constant 0 : i32
    %dma_start3A_77 = arith.constant 0 : i32
    %dma_start3A_78 = arith.constant 0 : i32
    %dma_start3A_79 = tpu.memref_slice %arg13[%dma_start3A_76, %dma_start3A_77, %dma_start3A_78] : memref<2x128x128xf32, #tpu.memory_space<vmem>> -> memref<1x128x128xf32, #tpu.memory_space<vmem>>
    %dma_start3A_80 = tpu.memref_squeeze %dma_start3A_79 : memref<1x128x128xf32, #tpu.memory_space<vmem>> -> memref<128x128xf32, #tpu.memory_space<vmem>>
    %dma_start3A_81 = arith.constant 0 : i32
    %dma_start3A_82 = tpu.memref_slice %arg11[%dma_start3A_75, %dma_start3A_81] : memref<2x128xi32, #tpu.memory_space<vmem>> -> memref<1x128xi32, #tpu.memory_space<vmem>>
    %dma_start3A_83 = tpu.memref_squeeze %dma_start3A_82 : memref<1x128xi32, #tpu.memory_space<vmem>> -> memref<128xi32, #tpu.memory_space<vmem>>
    %dma_start3A_84 = arith.constant 0 : i32
    %dma_start3A_85 = arith.constant 0 : i32
    %dma_start3A_86 = tpu.memref_slice %arg6[%dma_start3A_84, %dma_start3A_85] : memref<7688x128xf32, #tpu.memory_space<hbm>> -> memref<7688x128xf32, #tpu.memory_space<hbm>>
    tpu.enqueue_indirect_dma source(%dma_start3A_86 : memref<7688x128xf32, #tpu.memory_space<hbm>>) target(%dma_start3A_80 : memref<128x128xf32, #tpu.memory_space<vmem>>) offsets(%dma_start3A_83 : memref<128xi32, #tpu.memory_space<vmem>>) semaphore(%arg17 : memref<!tpu.dma_semaphore, #tpu.memory_space<semaphore_mem>>)
    %add3A_87 = arith.constant 128 : i32
    %add3A_88 = arith.addi %mul3A_2, %add3A_87 : i32
    %dma_start3A_89 = arith.constant 1 : i32
    %dma_start3A_90 = arith.constant 0 : i32
    %dma_start3A_91 = tpu.memref_slice %arg8[%dma_start3A_89, %dma_start3A_90] : memref<2x128xi32, #tpu.memory_space<vmem>> -> memref<1x128xi32, #tpu.memory_space<vmem>>
    %dma_start3A_92 = tpu.memref_squeeze %dma_start3A_91 : memref<1x128xi32, #tpu.memory_space<vmem>> -> memref<128xi32, #tpu.memory_space<vmem>>
    %dma_start3A_93 = tpu.memref_slice %arg2[%add3A_88] : memref<819200xi32, #tpu.memory_space<hbm>> -> memref<128xi32, #tpu.memory_space<hbm>>
    %dma_start3A_94 = arith.constant 0 : i32
    %dma_start3A_95 = tpu.memref_slice %arg8[%dma_start3A_89, %dma_start3A_94] : memref<2x128xi32, #tpu.memory_space<vmem>> -> memref<1x128xi32, #tpu.memory_space<vmem>>
    %dma_start3A_96 = tpu.memref_squeeze %dma_start3A_95 : memref<1x128xi32, #tpu.memory_space<vmem>> -> memref<128xi32, #tpu.memory_space<vmem>>
    %dma_start3A_97 = tpu.memref_slice %arg2[%add3A_88] : memref<819200xi32, #tpu.memory_space<hbm>> -> memref<128xi32, #tpu.memory_space<hbm>>
    tpu.enqueue_dma source(%dma_start3A_97 : memref<128xi32, #tpu.memory_space<hbm>>) target(%dma_start3A_96 : memref<128xi32, #tpu.memory_space<vmem>>) target_semaphore(%arg15 : memref<!tpu.dma_semaphore, #tpu.memory_space<semaphore_mem>>)
    %dma_start3A_98 = arith.constant 1 : i32
    %dma_start3A_99 = arith.constant 0 : i32
    %dma_start3A_100 = tpu.memref_slice %arg9[%dma_start3A_98, %dma_start3A_99] : memref<2x128xi32, #tpu.memory_space<vmem>> -> memref<1x128xi32, #tpu.memory_space<vmem>>
    %dma_start3A_101 = tpu.memref_squeeze %dma_start3A_100 : memref<1x128xi32, #tpu.memory_space<vmem>> -> memref<128xi32, #tpu.memory_space<vmem>>
    %dma_start3A_102 = tpu.memref_slice %arg3[%add3A_88] : memref<819200xi32, #tpu.memory_space<hbm>> -> memref<128xi32, #tpu.memory_space<hbm>>
    %dma_start3A_103 = arith.constant 0 : i32
    %dma_start3A_104 = tpu.memref_slice %arg9[%dma_start3A_98, %dma_start3A_103] : memref<2x128xi32, #tpu.memory_space<vmem>> -> memref<1x128xi32, #tpu.memory_space<vmem>>
    %dma_start3A_105 = tpu.memref_squeeze %dma_start3A_104 : memref<1x128xi32, #tpu.memory_space<vmem>> -> memref<128xi32, #tpu.memory_space<vmem>>
    %dma_start3A_106 = tpu.memref_slice %arg3[%add3A_88] : memref<819200xi32, #tpu.memory_space<hbm>> -> memref<128xi32, #tpu.memory_space<hbm>>
    tpu.enqueue_dma source(%dma_start3A_106 : memref<128xi32, #tpu.memory_space<hbm>>) target(%dma_start3A_105 : memref<128xi32, #tpu.memory_space<vmem>>) target_semaphore(%arg15 : memref<!tpu.dma_semaphore, #tpu.memory_space<semaphore_mem>>)
    %dma_start3A_107 = arith.constant 1 : i32
    %dma_start3A_108 = arith.constant 0 : i32
    %dma_start3A_109 = tpu.memref_slice %arg10[%dma_start3A_107, %dma_start3A_108] : memref<2x128xi32, #tpu.memory_space<vmem>> -> memref<1x128xi32, #tpu.memory_space<vmem>>
    %dma_start3A_110 = tpu.memref_squeeze %dma_start3A_109 : memref<1x128xi32, #tpu.memory_space<vmem>> -> memref<128xi32, #tpu.memory_space<vmem>>
    %dma_start3A_111 = tpu.memref_slice %arg4[%add3A_88] : memref<819200xi32, #tpu.memory_space<hbm>> -> memref<128xi32, #tpu.memory_space<hbm>>
    %dma_start3A_112 = arith.constant 0 : i32
    %dma_start3A_113 = tpu.memref_slice %arg10[%dma_start3A_107, %dma_start3A_112] : memref<2x128xi32, #tpu.memory_space<vmem>> -> memref<1x128xi32, #tpu.memory_space<vmem>>
    %dma_start3A_114 = tpu.memref_squeeze %dma_start3A_113 : memref<1x128xi32, #tpu.memory_space<vmem>> -> memref<128xi32, #tpu.memory_space<vmem>>
    %dma_start3A_115 = tpu.memref_slice %arg4[%add3A_88] : memref<819200xi32, #tpu.memory_space<hbm>> -> memref<128xi32, #tpu.memory_space<hbm>>
    tpu.enqueue_dma source(%dma_start3A_115 : memref<128xi32, #tpu.memory_space<hbm>>) target(%dma_start3A_114 : memref<128xi32, #tpu.memory_space<vmem>>) target_semaphore(%arg15 : memref<!tpu.dma_semaphore, #tpu.memory_space<semaphore_mem>>)
    %scan3A = arith.constant 0 : i32
    %scan3A_116 = arith.constant 100 : i32
    %scan3A_117 = arith.addi %scan3A, %scan3A_116 : i32
    %scan3A_118 = arith.constant 1 : i32
    scf.for %scan3A_150 = %scan3A to %scan3A_117 step %scan3A_118  : i32 {
      %mul3A_151 = arith.constant 2 : i32
      %mul3A_152 = arith.muli %scan3A_150, %mul3A_151 : i32
      %add3A_153 = arith.constant 0 : i32
      %add3A_154 = arith.addi %add3A_153, %mul3A_152 : i32
      %add3A_155 = arith.constant 0 : i32
      %add3A_156 = arith.addi %add3A_154, %add3A_155 : i32
      %mul3A_157 = arith.constant 128 : i32
      %mul3A_158 = arith.muli %add3A_156, %mul3A_157 : i32
      %add3A_159 = arith.addi %mul3A_2, %mul3A_158 : i32
      %dma_wait3A_160 = arith.constant 0 : i32
      %dma_wait3A_161 = arith.constant 0 : i32
      %dma_wait3A_162 = arith.constant 0 : i32
      %dma_wait3A_163 = arith.constant 0 : i32
      %dma_wait3A_164 = tpu.memref_slice %arg12[%dma_wait3A_161, %dma_wait3A_162, %dma_wait3A_163] : memref<2x128x128xf32, #tpu.memory_space<vmem>> -> memref<1x128x128xf32, #tpu.memory_space<vmem>>
      %dma_wait3A_165 = tpu.memref_squeeze %dma_wait3A_164 : memref<1x128x128xf32, #tpu.memory_space<vmem>> -> memref<128x128xf32, #tpu.memory_space<vmem>>
      %dma_wait3A_166 = arith.constant 0 : i32
      %dma_wait3A_167 = tpu.memref_slice %arg8[%dma_wait3A_160, %dma_wait3A_166] : memref<2x128xi32, #tpu.memory_space<vmem>> -> memref<1x128xi32, #tpu.memory_space<vmem>>
      %dma_wait3A_168 = tpu.memref_squeeze %dma_wait3A_167 : memref<1x128xi32, #tpu.memory_space<vmem>> -> memref<128xi32, #tpu.memory_space<vmem>>
      %dma_wait3A_169 = arith.constant 0 : i32
      %dma_wait3A_170 = arith.constant 0 : i32
      %dma_wait3A_171 = tpu.memref_slice %arg5[%dma_wait3A_169, %dma_wait3A_170] : memref<100000x128xf32, #tpu.memory_space<hbm>> -> memref<100000x128xf32, #tpu.memory_space<hbm>>
      tpu.wait_indirect_dma semaphore(%arg16 : memref<!tpu.dma_semaphore, #tpu.memory_space<semaphore_mem>>) src(%dma_wait3A_171 : memref<100000x128xf32, #tpu.memory_space<hbm>>) dst(%dma_wait3A_165 : memref<128x128xf32, #tpu.memory_space<vmem>>)
      %dma_wait3A_172 = arith.constant 0 : i32
      %dma_wait3A_173 = arith.constant 0 : i32
      %dma_wait3A_174 = arith.constant 0 : i32
      %dma_wait3A_175 = arith.constant 0 : i32
      %dma_wait3A_176 = tpu.memref_slice %arg13[%dma_wait3A_173, %dma_wait3A_174, %dma_wait3A_175] : memref<2x128x128xf32, #tpu.memory_space<vmem>> -> memref<1x128x128xf32, #tpu.memory_space<vmem>>
      %dma_wait3A_177 = tpu.memref_squeeze %dma_wait3A_176 : memref<1x128x128xf32, #tpu.memory_space<vmem>> -> memref<128x128xf32, #tpu.memory_space<vmem>>
      %dma_wait3A_178 = arith.constant 0 : i32
      %dma_wait3A_179 = tpu.memref_slice %arg11[%dma_wait3A_172, %dma_wait3A_178] : memref<2x128xi32, #tpu.memory_space<vmem>> -> memref<1x128xi32, #tpu.memory_space<vmem>>
      %dma_wait3A_180 = tpu.memref_squeeze %dma_wait3A_179 : memref<1x128xi32, #tpu.memory_space<vmem>> -> memref<128xi32, #tpu.memory_space<vmem>>
      %dma_wait3A_181 = arith.constant 0 : i32
      %dma_wait3A_182 = arith.constant 0 : i32
      %dma_wait3A_183 = tpu.memref_slice %arg6[%dma_wait3A_181, %dma_wait3A_182] : memref<7688x128xf32, #tpu.memory_space<hbm>> -> memref<7688x128xf32, #tpu.memory_space<hbm>>
      tpu.wait_indirect_dma semaphore(%arg17 : memref<!tpu.dma_semaphore, #tpu.memory_space<semaphore_mem>>) src(%dma_wait3A_183 : memref<7688x128xf32, #tpu.memory_space<hbm>>) dst(%dma_wait3A_177 : memref<128x128xf32, #tpu.memory_space<vmem>>)
      %lt3A = arith.constant 199 : i32
      %lt3A_184 = arith.cmpi slt, %add3A_156, %lt3A : i32
      %convert_element_type3A = arith.extui %lt3A_184 : i1 to i32
      %cond3A = arith.constant 0 : i32
      %cond3A_185 = arith.cmpi ne, %convert_element_type3A, %cond3A : i32
      scf.if %cond3A_185 {
        %dma_wait3A_271 = arith.constant 1 : i32
        %dma_wait3A_272 = arith.constant 0 : i32
        %dma_wait3A_273 = tpu.memref_slice %arg8[%dma_wait3A_271, %dma_wait3A_272] : memref<2x128xi32, #tpu.memory_space<vmem>> -> memref<1x128xi32, #tpu.memory_space<vmem>>
        %dma_wait3A_274 = tpu.memref_squeeze %dma_wait3A_273 : memref<1x128xi32, #tpu.memory_space<vmem>> -> memref<128xi32, #tpu.memory_space<vmem>>
        %dma_wait3A_275 = arith.constant 0 : i32
        %dma_wait3A_276 = tpu.memref_slice %arg2[%dma_wait3A_275] : memref<819200xi32, #tpu.memory_space<hbm>> -> memref<128xi32, #tpu.memory_space<hbm>>
        %dma_wait3A_277 = arith.constant 0 : i32
        %dma_wait3A_278 = tpu.memref_slice %arg8[%dma_wait3A_271, %dma_wait3A_277] : memref<2x128xi32, #tpu.memory_space<vmem>> -> memref<1x128xi32, #tpu.memory_space<vmem>>
        %dma_wait3A_279 = tpu.memref_squeeze %dma_wait3A_278 : memref<1x128xi32, #tpu.memory_space<vmem>> -> memref<128xi32, #tpu.memory_space<vmem>>
        %dma_wait3A_280 = arith.constant 0 : i32
        %dma_wait3A_281 = tpu.memref_slice %arg2[%dma_wait3A_280] : memref<819200xi32, #tpu.memory_space<hbm>> -> memref<128xi32, #tpu.memory_space<hbm>>
        tpu.wait_dma2 semaphore(%arg15 : memref<!tpu.dma_semaphore, #tpu.memory_space<semaphore_mem>>) src(%dma_wait3A_281 : memref<128xi32, #tpu.memory_space<hbm>>) dst(%dma_wait3A_279 : memref<128xi32, #tpu.memory_space<vmem>>)
        %dma_wait3A_282 = arith.constant 1 : i32
        %dma_wait3A_283 = arith.constant 0 : i32
        %dma_wait3A_284 = tpu.memref_slice %arg9[%dma_wait3A_282, %dma_wait3A_283] : memref<2x128xi32, #tpu.memory_space<vmem>> -> memref<1x128xi32, #tpu.memory_space<vmem>>
        %dma_wait3A_285 = tpu.memref_squeeze %dma_wait3A_284 : memref<1x128xi32, #tpu.memory_space<vmem>> -> memref<128xi32, #tpu.memory_space<vmem>>
        %dma_wait3A_286 = arith.constant 0 : i32
        %dma_wait3A_287 = tpu.memref_slice %arg2[%dma_wait3A_286] : memref<819200xi32, #tpu.memory_space<hbm>> -> memref<128xi32, #tpu.memory_space<hbm>>
        %dma_wait3A_288 = arith.constant 0 : i32
        %dma_wait3A_289 = tpu.memref_slice %arg9[%dma_wait3A_282, %dma_wait3A_288] : memref<2x128xi32, #tpu.memory_space<vmem>> -> memref<1x128xi32, #tpu.memory_space<vmem>>
        %dma_wait3A_290 = tpu.memref_squeeze %dma_wait3A_289 : memref<1x128xi32, #tpu.memory_space<vmem>> -> memref<128xi32, #tpu.memory_space<vmem>>
        %dma_wait3A_291 = arith.constant 0 : i32
        %dma_wait3A_292 = tpu.memref_slice %arg2[%dma_wait3A_291] : memref<819200xi32, #tpu.memory_space<hbm>> -> memref<128xi32, #tpu.memory_space<hbm>>
        tpu.wait_dma2 semaphore(%arg15 : memref<!tpu.dma_semaphore, #tpu.memory_space<semaphore_mem>>) src(%dma_wait3A_292 : memref<128xi32, #tpu.memory_space<hbm>>) dst(%dma_wait3A_290 : memref<128xi32, #tpu.memory_space<vmem>>)
        %dma_wait3A_293 = arith.constant 1 : i32
        %dma_wait3A_294 = arith.constant 0 : i32
        %dma_wait3A_295 = tpu.memref_slice %arg10[%dma_wait3A_293, %dma_wait3A_294] : memref<2x128xi32, #tpu.memory_space<vmem>> -> memref<1x128xi32, #tpu.memory_space<vmem>>
        %dma_wait3A_296 = tpu.memref_squeeze %dma_wait3A_295 : memref<1x128xi32, #tpu.memory_space<vmem>> -> memref<128xi32, #tpu.memory_space<vmem>>
        %dma_wait3A_297 = arith.constant 0 : i32
        %dma_wait3A_298 = tpu.memref_slice %arg2[%dma_wait3A_297] : memref<819200xi32, #tpu.memory_space<hbm>> -> memref<128xi32, #tpu.memory_space<hbm>>
        %dma_wait3A_299 = arith.constant 0 : i32
        %dma_wait3A_300 = tpu.memref_slice %arg10[%dma_wait3A_293, %dma_wait3A_299] : memref<2x128xi32, #tpu.memory_space<vmem>> -> memref<1x128xi32, #tpu.memory_space<vmem>>
        %dma_wait3A_301 = tpu.memref_squeeze %dma_wait3A_300 : memref<1x128xi32, #tpu.memory_space<vmem>> -> memref<128xi32, #tpu.memory_space<vmem>>
        %dma_wait3A_302 = arith.constant 0 : i32
        %dma_wait3A_303 = tpu.memref_slice %arg2[%dma_wait3A_302] : memref<819200xi32, #tpu.memory_space<hbm>> -> memref<128xi32, #tpu.memory_space<hbm>>
        tpu.wait_dma2 semaphore(%arg15 : memref<!tpu.dma_semaphore, #tpu.memory_space<semaphore_mem>>) src(%dma_wait3A_303 : memref<128xi32, #tpu.memory_space<hbm>>) dst(%dma_wait3A_301 : memref<128xi32, #tpu.memory_space<vmem>>)
        %parallel_loop3A_304 = arith.constant 0 : i32
        %parallel_loop3A_305 = arith.constant 8 : i32
        %parallel_loop3A_306 = arith.constant 1 : i32
        scf.for %parallel_loop3A_331 = %parallel_loop3A_304 to %parallel_loop3A_305 step %parallel_loop3A_306  : i32 {
          %parallel_loop3A_332 = arith.constant 16 : i32
          %parallel_loop3A_333 = arith.muli %parallel_loop3A_331, %parallel_loop3A_332 : i32
          %parallel_loop3A_334 = arith.constant 1 : i32
          %parallel_loop3A_335 = arith.index_cast %parallel_loop3A_334 : i32 to index
          %parallel_loop3A_336 = arith.index_cast %parallel_loop3A_333 : i32 to index
          %parallel_loop3A_337 = tpu.vector_load %arg8[%parallel_loop3A_335, %parallel_loop3A_336] {strides = array<i32>} : memref<2x128xi32, #tpu.memory_space<vmem>>, vector<1x16xi32>,
          %parallel_loop3A_338 = vector.shape_cast %parallel_loop3A_337 : vector<1x16xi32> to vector<16xi32>
          %parallel_loop3A_339 = arith.constant 1 : i32
          %parallel_loop3A_340 = arith.index_cast %parallel_loop3A_339 : i32 to index
          %parallel_loop3A_341 = arith.index_cast %parallel_loop3A_333 : i32 to index
          %parallel_loop3A_342 = tpu.vector_load %arg9[%parallel_loop3A_340, %parallel_loop3A_341] {strides = array<i32>} : memref<2x128xi32, #tpu.memory_space<vmem>>, vector<1x16xi32>,
          %parallel_loop3A_343 = vector.shape_cast %parallel_loop3A_342 : vector<1x16xi32> to vector<16xi32>
          %parallel_loop3A_344 = arith.constant 1 : i32
          %parallel_loop3A_345 = arith.index_cast %parallel_loop3A_344 : i32 to index
          %parallel_loop3A_346 = arith.index_cast %parallel_loop3A_333 : i32 to index
          %parallel_loop3A_347 = tpu.vector_load %arg10[%parallel_loop3A_345, %parallel_loop3A_346] {strides = array<i32>} : memref<2x128xi32, #tpu.memory_space<vmem>>, vector<1x16xi32>,
          %parallel_loop3A_348 = vector.shape_cast %parallel_loop3A_347 : vector<1x16xi32> to vector<16xi32>
          %parallel_loop3A_349 = arith.constant 62 : i32
          %parallel_loop3A_350 = vector.broadcast %parallel_loop3A_349 : i32 to vector<16xi32>
          %parallel_loop3A_351 = arith.muli %parallel_loop3A_343, %parallel_loop3A_350 : vector<16xi32>
          %parallel_loop3A_352 = arith.addi %parallel_loop3A_351, %parallel_loop3A_348 : vector<16xi32>
          %parallel_loop3A_353 = arith.constant 0 : i32
          %parallel_loop3A_354 = vector.broadcast %parallel_loop3A_353 : i32 to vector<16xi32>
          %parallel_loop3A_355 = arith.cmpi eq, %parallel_loop3A_338, %parallel_loop3A_354 : vector<16xi32>
          %parallel_loop3A_356 = arith.constant 3844 : i32
          %parallel_loop3A_357 = arith.constant 0 : i32
          %parallel_loop3A_358 = vector.broadcast %parallel_loop3A_356 : i32 to vector<16xi32>
          %parallel_loop3A_359 = vector.broadcast %parallel_loop3A_357 : i32 to vector<16xi32>
          %parallel_loop3A_360 = arith.select %parallel_loop3A_355, %parallel_loop3A_358, %parallel_loop3A_359 : vector<16xi1>, vector<16xi32>
          %parallel_loop3A_361 = arith.addi %parallel_loop3A_352, %parallel_loop3A_360 : vector<16xi32>
          %parallel_loop3A_362 = arith.constant 1 : i32
          %parallel_loop3A_363 = arith.index_cast %parallel_loop3A_362 : i32 to index
          %parallel_loop3A_364 = arith.index_cast %parallel_loop3A_333 : i32 to index
          %parallel_loop3A_365 = tpu.vector_load %arg11[%parallel_loop3A_363, %parallel_loop3A_364] {strides = array<i32>} : memref<2x128xi32, #tpu.memory_space<vmem>>, vector<1x16xi32>,
          %parallel_loop3A_366 = vector.shape_cast %parallel_loop3A_365 : vector<1x16xi32> to vector<16xi32>
          %parallel_loop3A_367 = vector.shape_cast %parallel_loop3A_361 : vector<16xi32> to vector<1x16xi32>
          tpu.vector_store %arg11[%parallel_loop3A_363, %parallel_loop3A_364], %parallel_loop3A_367 {strides = array<i32>} : memref<2x128xi32, #tpu.memory_space<vmem>>, vector<1x16xi32>,
        } {sc.loop_unroll_factor = 4 : i64, sc.parallel_access}
        %dma_start3A_307 = arith.constant 1 : i32
        %dma_start3A_308 = arith.constant 1 : i32
        %dma_start3A_309 = arith.constant 0 : i32
        %dma_start3A_310 = arith.constant 0 : i32
        %dma_start3A_311 = tpu.memref_slice %arg12[%dma_start3A_308, %dma_start3A_309, %dma_start3A_310] : memref<2x128x128xf32, #tpu.memory_space<vmem>> -> memref<1x128x128xf32, #tpu.memory_space<vmem>>
        %dma_start3A_312 = tpu.memref_squeeze %dma_start3A_311 : memref<1x128x128xf32, #tpu.memory_space<vmem>> -> memref<128x128xf32, #tpu.memory_space<vmem>>
        %dma_start3A_313 = arith.constant 0 : i32
        %dma_start3A_314 = tpu.memref_slice %arg8[%dma_start3A_307, %dma_start3A_313] : memref<2x128xi32, #tpu.memory_space<vmem>> -> memref<1x128xi32, #tpu.memory_space<vmem>>
        %dma_start3A_315 = tpu.memref_squeeze %dma_start3A_314 : memref<1x128xi32, #tpu.memory_space<vmem>> -> memref<128xi32, #tpu.memory_space<vmem>>
        %dma_start3A_316 = arith.constant 0 : i32
        %dma_start3A_317 = arith.constant 0 : i32
        %dma_start3A_318 = tpu.memref_slice %arg5[%dma_start3A_316, %dma_start3A_317] : memref<100000x128xf32, #tpu.memory_space<hbm>> -> memref<100000x128xf32, #tpu.memory_space<hbm>>
        tpu.enqueue_indirect_dma source(%dma_start3A_318 : memref<100000x128xf32, #tpu.memory_space<hbm>>) target(%dma_start3A_312 : memref<128x128xf32, #tpu.memory_space<vmem>>) offsets(%dma_start3A_315 : memref<128xi32, #tpu.memory_space<vmem>>) semaphore(%arg16 : memref<!tpu.dma_semaphore, #tpu.memory_space<semaphore_mem>>)
        %dma_start3A_319 = arith.constant 1 : i32
        %dma_start3A_320 = arith.constant 1 : i32
        %dma_start3A_321 = arith.constant 0 : i32
        %dma_start3A_322 = arith.constant 0 : i32
        %dma_start3A_323 = tpu.memref_slice %arg13[%dma_start3A_320, %dma_start3A_321, %dma_start3A_322] : memref<2x128x128xf32, #tpu.memory_space<vmem>> -> memref<1x128x128xf32, #tpu.memory_space<vmem>>
        %dma_start3A_324 = tpu.memref_squeeze %dma_start3A_323 : memref<1x128x128xf32, #tpu.memory_space<vmem>> -> memref<128x128xf32, #tpu.memory_space<vmem>>
        %dma_start3A_325 = arith.constant 0 : i32
        %dma_start3A_326 = tpu.memref_slice %arg11[%dma_start3A_319, %dma_start3A_325] : memref<2x128xi32, #tpu.memory_space<vmem>> -> memref<1x128xi32, #tpu.memory_space<vmem>>
        %dma_start3A_327 = tpu.memref_squeeze %dma_start3A_326 : memref<1x128xi32, #tpu.memory_space<vmem>> -> memref<128xi32, #tpu.memory_space<vmem>>
        %dma_start3A_328 = arith.constant 0 : i32
        %dma_start3A_329 = arith.constant 0 : i32
        %dma_start3A_330 = tpu.memref_slice %arg6[%dma_start3A_328, %dma_start3A_329] : memref<7688x128xf32, #tpu.memory_space<hbm>> -> memref<7688x128xf32, #tpu.memory_space<hbm>>
        tpu.enqueue_indirect_dma source(%dma_start3A_330 : memref<7688x128xf32, #tpu.memory_space<hbm>>) target(%dma_start3A_324 : memref<128x128xf32, #tpu.memory_space<vmem>>) offsets(%dma_start3A_327 : memref<128xi32, #tpu.memory_space<vmem>>) semaphore(%arg17 : memref<!tpu.dma_semaphore, #tpu.memory_space<semaphore_mem>>)
      } else {
      }
      %lt3A_186 = arith.constant 198 : i32
      %lt3A_187 = arith.cmpi slt, %add3A_156, %lt3A_186 : i32
      %convert_element_type3A_188 = arith.extui %lt3A_187 : i1 to i32
      %cond3A_189 = arith.constant 0 : i32
      %cond3A_190 = arith.cmpi ne, %convert_element_type3A_188, %cond3A_189 : i32
      scf.if %cond3A_190 {
        %add3A_271 = arith.constant 256 : i32
        %add3A_272 = arith.addi %add3A_159, %add3A_271 : i32
        %dma_start3A_273 = arith.constant 0 : i32
        %dma_start3A_274 = arith.constant 0 : i32
        %dma_start3A_275 = tpu.memref_slice %arg8[%dma_start3A_273, %dma_start3A_274] : memref<2x128xi32, #tpu.memory_space<vmem>> -> memref<1x128xi32, #tpu.memory_space<vmem>>
        %dma_start3A_276 = tpu.memref_squeeze %dma_start3A_275 : memref<1x128xi32, #tpu.memory_space<vmem>> -> memref<128xi32, #tpu.memory_space<vmem>>
        %dma_start3A_277 = tpu.memref_slice %arg2[%add3A_272] : memref<819200xi32, #tpu.memory_space<hbm>> -> memref<128xi32, #tpu.memory_space<hbm>>
        %dma_start3A_278 = arith.constant 0 : i32
        %dma_start3A_279 = tpu.memref_slice %arg8[%dma_start3A_273, %dma_start3A_278] : memref<2x128xi32, #tpu.memory_space<vmem>> -> memref<1x128xi32, #tpu.memory_space<vmem>>
        %dma_start3A_280 = tpu.memref_squeeze %dma_start3A_279 : memref<1x128xi32, #tpu.memory_space<vmem>> -> memref<128xi32, #tpu.memory_space<vmem>>
        %dma_start3A_281 = tpu.memref_slice %arg2[%add3A_272] : memref<819200xi32, #tpu.memory_space<hbm>> -> memref<128xi32, #tpu.memory_space<hbm>>
        tpu.enqueue_dma source(%dma_start3A_281 : memref<128xi32, #tpu.memory_space<hbm>>) target(%dma_start3A_280 : memref<128xi32, #tpu.memory_space<vmem>>) target_semaphore(%arg15 : memref<!tpu.dma_semaphore, #tpu.memory_space<semaphore_mem>>)
        %dma_start3A_282 = arith.constant 0 : i32
        %dma_start3A_283 = arith.constant 0 : i32
        %dma_start3A_284 = tpu.memref_slice %arg9[%dma_start3A_282, %dma_start3A_283] : memref<2x128xi32, #tpu.memory_space<vmem>> -> memref<1x128xi32, #tpu.memory_space<vmem>>
        %dma_start3A_285 = tpu.memref_squeeze %dma_start3A_284 : memref<1x128xi32, #tpu.memory_space<vmem>> -> memref<128xi32, #tpu.memory_space<vmem>>
        %dma_start3A_286 = tpu.memref_slice %arg3[%add3A_272] : memref<819200xi32, #tpu.memory_space<hbm>> -> memref<128xi32, #tpu.memory_space<hbm>>
        %dma_start3A_287 = arith.constant 0 : i32
        %dma_start3A_288 = tpu.memref_slice %arg9[%dma_start3A_282, %dma_start3A_287] : memref<2x128xi32, #tpu.memory_space<vmem>> -> memref<1x128xi32, #tpu.memory_space<vmem>>
        %dma_start3A_289 = tpu.memref_squeeze %dma_start3A_288 : memref<1x128xi32, #tpu.memory_space<vmem>> -> memref<128xi32, #tpu.memory_space<vmem>>
        %dma_start3A_290 = tpu.memref_slice %arg3[%add3A_272] : memref<819200xi32, #tpu.memory_space<hbm>> -> memref<128xi32, #tpu.memory_space<hbm>>
        tpu.enqueue_dma source(%dma_start3A_290 : memref<128xi32, #tpu.memory_space<hbm>>) target(%dma_start3A_289 : memref<128xi32, #tpu.memory_space<vmem>>) target_semaphore(%arg15 : memref<!tpu.dma_semaphore, #tpu.memory_space<semaphore_mem>>)
        %dma_start3A_291 = arith.constant 0 : i32
        %dma_start3A_292 = arith.constant 0 : i32
        %dma_start3A_293 = tpu.memref_slice %arg10[%dma_start3A_291, %dma_start3A_292] : memref<2x128xi32, #tpu.memory_space<vmem>> -> memref<1x128xi32, #tpu.memory_space<vmem>>
        %dma_start3A_294 = tpu.memref_squeeze %dma_start3A_293 : memref<1x128xi32, #tpu.memory_space<vmem>> -> memref<128xi32, #tpu.memory_space<vmem>>
        %dma_start3A_295 = tpu.memref_slice %arg4[%add3A_272] : memref<819200xi32, #tpu.memory_space<hbm>> -> memref<128xi32, #tpu.memory_space<hbm>>
        %dma_start3A_296 = arith.constant 0 : i32
        %dma_start3A_297 = tpu.memref_slice %arg10[%dma_start3A_291, %dma_start3A_296] : memref<2x128xi32, #tpu.memory_space<vmem>> -> memref<1x128xi32, #tpu.memory_space<vmem>>
        %dma_start3A_298 = tpu.memref_squeeze %dma_start3A_297 : memref<1x128xi32, #tpu.memory_space<vmem>> -> memref<128xi32, #tpu.memory_space<vmem>>
        %dma_start3A_299 = tpu.memref_slice %arg4[%add3A_272] : memref<819200xi32, #tpu.memory_space<hbm>> -> memref<128xi32, #tpu.memory_space<hbm>>
        tpu.enqueue_dma source(%dma_start3A_299 : memref<128xi32, #tpu.memory_space<hbm>>) target(%dma_start3A_298 : memref<128xi32, #tpu.memory_space<vmem>>) target_semaphore(%arg15 : memref<!tpu.dma_semaphore, #tpu.memory_space<semaphore_mem>>)
      } else {
      }
      %ge3A = arith.constant 2 : i32
      %ge3A_191 = arith.cmpi sge, %add3A_156, %ge3A : i32
      %convert_element_type3A_192 = arith.extui %ge3A_191 : i1 to i32
      %cond3A_193 = arith.constant 0 : i32
      %cond3A_194 = arith.cmpi ne, %convert_element_type3A_192, %cond3A_193 : i32
      scf.if %cond3A_194 {
        %dma_wait3A_271 = arith.constant 0 : i32
        %dma_wait3A_272 = arith.constant 0 : i32
        %dma_wait3A_273 = arith.constant 0 : i32
        %dma_wait3A_274 = tpu.memref_slice %arg14[%dma_wait3A_271, %dma_wait3A_272, %dma_wait3A_273] : memref<2x128x60xf32, #tpu.memory_space<vmem>> -> memref<1x128x60xf32, #tpu.memory_space<vmem>>
        %dma_wait3A_275 = tpu.memref_squeeze %dma_wait3A_274 : memref<1x128x60xf32, #tpu.memory_space<vmem>> -> memref<128x60xf32, #tpu.memory_space<vmem>>
        %dma_wait3A_276 = arith.constant 0 : i32
        %dma_wait3A_277 = arith.constant 0 : i32
        %dma_wait3A_278 = tpu.memref_slice %arg7[%dma_wait3A_276, %dma_wait3A_277] : memref<819200x60xf32, #tpu.memory_space<hbm>> -> memref<128x60xf32, #tpu.memory_space<hbm>>
        %dma_wait3A_279 = arith.constant 0 : i32
        %dma_wait3A_280 = arith.constant 0 : i32
        %dma_wait3A_281 = tpu.memref_slice %arg7[%dma_wait3A_279, %dma_wait3A_280] : memref<819200x60xf32, #tpu.memory_space<hbm>> -> memref<128x60xf32, #tpu.memory_space<hbm>>
        %dma_wait3A_282 = arith.constant 0 : i32
        %dma_wait3A_283 = arith.constant 0 : i32
        %dma_wait3A_284 = tpu.memref_slice %arg14[%dma_wait3A_271, %dma_wait3A_282, %dma_wait3A_283] : memref<2x128x60xf32, #tpu.memory_space<vmem>> -> memref<1x128x60xf32, #tpu.memory_space<vmem>>
        %dma_wait3A_285 = tpu.memref_squeeze %dma_wait3A_284 : memref<1x128x60xf32, #tpu.memory_space<vmem>> -> memref<128x60xf32, #tpu.memory_space<vmem>>
        tpu.wait_dma2 semaphore(%arg18 : memref<!tpu.dma_semaphore, #tpu.memory_space<semaphore_mem>>) src(%dma_wait3A_285 : memref<128x60xf32, #tpu.memory_space<vmem>>) dst(%dma_wait3A_281 : memref<128x60xf32, #tpu.memory_space<hbm>>)
      } else {
      }
      %parallel_loop3A_195 = arith.constant 0 : i32
      %parallel_loop3A_196 = arith.constant 128 : i32
      %parallel_loop3A_197 = arith.constant 1 : i32
      scf.for %parallel_loop3A_271 = %parallel_loop3A_195 to %parallel_loop3A_196 step %parallel_loop3A_197  : i32 {
        %parallel_loop3A_272 = arith.constant 0 : i32
        %parallel_loop3A_273 = arith.index_cast %parallel_loop3A_272 : i32 to index
        %parallel_loop3A_274 = arith.index_cast %parallel_loop3A_271 : i32 to index
        %parallel_loop3A_275 = arith.constant 0 : index
        %parallel_loop3A_276 = tpu.vector_load %arg12[%parallel_loop3A_273, %parallel_loop3A_274, %parallel_loop3A_275] {strides = array<i32>} : memref<2x128x128xf32, #tpu.memory_space<vmem>>, vector<1x1x16xf32>,
        %parallel_loop3A_277 = vector.shape_cast %parallel_loop3A_276 : vector<1x1x16xf32> to vector<16xf32>
        %parallel_loop3A_278 = arith.constant 0 : i32
        %parallel_loop3A_279 = arith.index_cast %parallel_loop3A_278 : i32 to index
        %parallel_loop3A_280 = arith.index_cast %parallel_loop3A_271 : i32 to index
        %parallel_loop3A_281 = arith.constant 0 : index
        %parallel_loop3A_282 = tpu.vector_load %arg13[%parallel_loop3A_279, %parallel_loop3A_280, %parallel_loop3A_281] {strides = array<i32>} : memref<2x128x128xf32, #tpu.memory_space<vmem>>, vector<1x1x16xf32>,
        %parallel_loop3A_283 = vector.shape_cast %parallel_loop3A_282 : vector<1x1x16xf32> to vector<16xf32>
        %parallel_loop3A_284 = arith.addf %parallel_loop3A_277, %parallel_loop3A_283 : vector<16xf32>
        %parallel_loop3A_285 = arith.constant 0 : i32
        %parallel_loop3A_286 = arith.index_cast %parallel_loop3A_285 : i32 to index
        %parallel_loop3A_287 = arith.index_cast %parallel_loop3A_271 : i32 to index
        %parallel_loop3A_288 = arith.constant 0 : index
        %parallel_loop3A_289 = tpu.vector_load %arg14[%parallel_loop3A_286, %parallel_loop3A_287, %parallel_loop3A_288] {strides = array<i32>} : memref<2x128x60xf32, #tpu.memory_space<vmem>>, vector<1x1x16xf32>,
        %parallel_loop3A_290 = vector.shape_cast %parallel_loop3A_289 : vector<1x1x16xf32> to vector<16xf32>
        %parallel_loop3A_291 = vector.shape_cast %parallel_loop3A_284 : vector<16xf32> to vector<1x1x16xf32>
        tpu.vector_store %arg14[%parallel_loop3A_286, %parallel_loop3A_287, %parallel_loop3A_288], %parallel_loop3A_291 {strides = array<i32>} : memref<2x128x60xf32, #tpu.memory_space<vmem>>, vector<1x1x16xf32>,
        %parallel_loop3A_292 = arith.constant 0 : i32
        %parallel_loop3A_293 = arith.index_cast %parallel_loop3A_292 : i32 to index
        %parallel_loop3A_294 = arith.index_cast %parallel_loop3A_271 : i32 to index
        %parallel_loop3A_295 = arith.constant 16 : index
        %parallel_loop3A_296 = tpu.vector_load %arg12[%parallel_loop3A_293, %parallel_loop3A_294, %parallel_loop3A_295] {strides = array<i32>} : memref<2x128x128xf32, #tpu.memory_space<vmem>>, vector<1x1x16xf32>,
        %parallel_loop3A_297 = vector.shape_cast %parallel_loop3A_296 : vector<1x1x16xf32> to vector<16xf32>
        %parallel_loop3A_298 = arith.constant 0 : i32
        %parallel_loop3A_299 = arith.index_cast %parallel_loop3A_298 : i32 to index
        %parallel_loop3A_300 = arith.index_cast %parallel_loop3A_271 : i32 to index
        %parallel_loop3A_301 = arith.constant 16 : index
        %parallel_loop3A_302 = tpu.vector_load %arg13[%parallel_loop3A_299, %parallel_loop3A_300, %parallel_loop3A_301] {strides = array<i32>} : memref<2x128x128xf32, #tpu.memory_space<vmem>>, vector<1x1x16xf32>,
        %parallel_loop3A_303 = vector.shape_cast %parallel_loop3A_302 : vector<1x1x16xf32> to vector<16xf32>
        %parallel_loop3A_304 = arith.addf %parallel_loop3A_297, %parallel_loop3A_303 : vector<16xf32>
        %parallel_loop3A_305 = arith.constant 0 : i32
        %parallel_loop3A_306 = arith.index_cast %parallel_loop3A_305 : i32 to index
        %parallel_loop3A_307 = arith.index_cast %parallel_loop3A_271 : i32 to index
        %parallel_loop3A_308 = arith.constant 16 : index
        %parallel_loop3A_309 = tpu.vector_load %arg14[%parallel_loop3A_306, %parallel_loop3A_307, %parallel_loop3A_308] {strides = array<i32>} : memref<2x128x60xf32, #tpu.memory_space<vmem>>, vector<1x1x16xf32>,
        %parallel_loop3A_310 = vector.shape_cast %parallel_loop3A_309 : vector<1x1x16xf32> to vector<16xf32>
        %parallel_loop3A_311 = vector.shape_cast %parallel_loop3A_304 : vector<16xf32> to vector<1x1x16xf32>
        tpu.vector_store %arg14[%parallel_loop3A_306, %parallel_loop3A_307, %parallel_loop3A_308], %parallel_loop3A_311 {strides = array<i32>} : memref<2x128x60xf32, #tpu.memory_space<vmem>>, vector<1x1x16xf32>,
        %parallel_loop3A_312 = arith.constant 0 : i32
        %parallel_loop3A_313 = arith.index_cast %parallel_loop3A_312 : i32 to index
        %parallel_loop3A_314 = arith.index_cast %parallel_loop3A_271 : i32 to index
        %parallel_loop3A_315 = arith.constant 32 : index
        %parallel_loop3A_316 = tpu.vector_load %arg12[%parallel_loop3A_313, %parallel_loop3A_314, %parallel_loop3A_315] {strides = array<i32>} : memref<2x128x128xf32, #tpu.memory_space<vmem>>, vector<1x1x16xf32>,
        %parallel_loop3A_317 = vector.shape_cast %parallel_loop3A_316 : vector<1x1x16xf32> to vector<16xf32>
        %parallel_loop3A_318 = arith.constant 0 : i32
        %parallel_loop3A_319 = arith.index_cast %parallel_loop3A_318 : i32 to index
        %parallel_loop3A_320 = arith.index_cast %parallel_loop3A_271 : i32 to index
        %parallel_loop3A_321 = arith.constant 32 : index
        %parallel_loop3A_322 = tpu.vector_load %arg13[%parallel_loop3A_319, %parallel_loop3A_320, %parallel_loop3A_321] {strides = array<i32>} : memref<2x128x128xf32, #tpu.memory_space<vmem>>, vector<1x1x16xf32>,
        %parallel_loop3A_323 = vector.shape_cast %parallel_loop3A_322 : vector<1x1x16xf32> to vector<16xf32>
        %parallel_loop3A_324 = arith.addf %parallel_loop3A_317, %parallel_loop3A_323 : vector<16xf32>
        %parallel_loop3A_325 = arith.constant 0 : i32
        %parallel_loop3A_326 = arith.index_cast %parallel_loop3A_325 : i32 to index
        %parallel_loop3A_327 = arith.index_cast %parallel_loop3A_271 : i32 to index
        %parallel_loop3A_328 = arith.constant 32 : index
        %parallel_loop3A_329 = tpu.vector_load %arg14[%parallel_loop3A_326, %parallel_loop3A_327, %parallel_loop3A_328] {strides = array<i32>} : memref<2x128x60xf32, #tpu.memory_space<vmem>>, vector<1x1x16xf32>,
        %parallel_loop3A_330 = vector.shape_cast %parallel_loop3A_329 : vector<1x1x16xf32> to vector<16xf32>
        %parallel_loop3A_331 = vector.shape_cast %parallel_loop3A_324 : vector<16xf32> to vector<1x1x16xf32>
        tpu.vector_store %arg14[%parallel_loop3A_326, %parallel_loop3A_327, %parallel_loop3A_328], %parallel_loop3A_331 {strides = array<i32>} : memref<2x128x60xf32, #tpu.memory_space<vmem>>, vector<1x1x16xf32>,
        %parallel_loop3A_332 = arith.constant 0 : i32
        %parallel_loop3A_333 = arith.index_cast %parallel_loop3A_332 : i32 to index
        %parallel_loop3A_334 = arith.index_cast %parallel_loop3A_271 : i32 to index
        %parallel_loop3A_335 = arith.constant 44 : index
        %parallel_loop3A_336 = tpu.vector_load %arg12[%parallel_loop3A_333, %parallel_loop3A_334, %parallel_loop3A_335] {strides = array<i32>} : memref<2x128x128xf32, #tpu.memory_space<vmem>>, vector<1x1x16xf32>,
        %parallel_loop3A_337 = vector.shape_cast %parallel_loop3A_336 : vector<1x1x16xf32> to vector<16xf32>
        %parallel_loop3A_338 = arith.constant 0 : i32
        %parallel_loop3A_339 = arith.index_cast %parallel_loop3A_338 : i32 to index
        %parallel_loop3A_340 = arith.index_cast %parallel_loop3A_271 : i32 to index
        %parallel_loop3A_341 = arith.constant 44 : index
        %parallel_loop3A_342 = tpu.vector_load %arg13[%parallel_loop3A_339, %parallel_loop3A_340, %parallel_loop3A_341] {strides = array<i32>} : memref<2x128x128xf32, #tpu.memory_space<vmem>>, vector<1x1x16xf32>,
        %parallel_loop3A_343 = vector.shape_cast %parallel_loop3A_342 : vector<1x1x16xf32> to vector<16xf32>
        %parallel_loop3A_344 = arith.addf %parallel_loop3A_337, %parallel_loop3A_343 : vector<16xf32>
        %parallel_loop3A_345 = arith.constant 0 : i32
        %parallel_loop3A_346 = arith.index_cast %parallel_loop3A_345 : i32 to index
        %parallel_loop3A_347 = arith.index_cast %parallel_loop3A_271 : i32 to index
        %parallel_loop3A_348 = arith.constant 44 : index
        %parallel_loop3A_349 = tpu.vector_load %arg14[%parallel_loop3A_346, %parallel_loop3A_347, %parallel_loop3A_348] {strides = array<i32>} : memref<2x128x60xf32, #tpu.memory_space<vmem>>, vector<1x1x16xf32>,
        %parallel_loop3A_350 = vector.shape_cast %parallel_loop3A_349 : vector<1x1x16xf32> to vector<16xf32>
        %parallel_loop3A_351 = vector.shape_cast %parallel_loop3A_344 : vector<16xf32> to vector<1x1x16xf32>
        tpu.vector_store %arg14[%parallel_loop3A_346, %parallel_loop3A_347, %parallel_loop3A_348], %parallel_loop3A_351 {strides = array<i32>} : memref<2x128x60xf32, #tpu.memory_space<vmem>>, vector<1x1x16xf32>,
      } {sc.loop_unroll_factor = 8 : i64, sc.parallel_access}
      %dma_start3A_198 = arith.constant 0 : i32
      %dma_start3A_199 = arith.constant 0 : i32
      %dma_start3A_200 = arith.constant 0 : i32
      %dma_start3A_201 = tpu.memref_slice %arg14[%dma_start3A_198, %dma_start3A_199, %dma_start3A_200] : memref<2x128x60xf32, #tpu.memory_space<vmem>> -> memref<1x128x60xf32, #tpu.memory_space<vmem>>
      %dma_start3A_202 = tpu.memref_squeeze %dma_start3A_201 : memref<1x128x60xf32, #tpu.memory_space<vmem>> -> memref<128x60xf32, #tpu.memory_space<vmem>>
      %dma_start3A_203 = arith.constant 0 : i32
      %dma_start3A_204 = tpu.memref_slice %arg7[%add3A_159, %dma_start3A_203] : memref<819200x60xf32, #tpu.memory_space<hbm>> -> memref<128x60xf32, #tpu.memory_space<hbm>>
      %dma_start3A_205 = arith.constant 0 : i32
      %dma_start3A_206 = tpu.memref_slice %arg7[%add3A_159, %dma_start3A_205] : memref<819200x60xf32, #tpu.memory_space<hbm>> -> memref<128x60xf32, #tpu.memory_space<hbm>>
      %dma_start3A_207 = arith.constant 0 : i32
      %dma_start3A_208 = arith.constant 0 : i32
      %dma_start3A_209 = tpu.memref_slice %arg14[%dma_start3A_198, %dma_start3A_207, %dma_start3A_208] : memref<2x128x60xf32, #tpu.memory_space<vmem>> -> memref<1x128x60xf32, #tpu.memory_space<vmem>>
      %dma_start3A_210 = tpu.memref_squeeze %dma_start3A_209 : memref<1x128x60xf32, #tpu.memory_space<vmem>> -> memref<128x60xf32, #tpu.memory_space<vmem>>
      tpu.enqueue_dma source(%dma_start3A_210 : memref<128x60xf32, #tpu.memory_space<vmem>>) target(%dma_start3A_206 : memref<128x60xf32, #tpu.memory_space<hbm>>) target_semaphore(%arg18 : memref<!tpu.dma_semaphore, #tpu.memory_space<semaphore_mem>>)
      %add3A_211 = arith.constant 1 : i32
      %add3A_212 = arith.addi %add3A_154, %add3A_211 : i32
      %mul3A_213 = arith.constant 128 : i32
      %mul3A_214 = arith.muli %add3A_212, %mul3A_213 : i32
      %add3A_215 = arith.addi %mul3A_2, %mul3A_214 : i32
      %dma_wait3A_216 = arith.constant 1 : i32
      %dma_wait3A_217 = arith.constant 1 : i32
      %dma_wait3A_218 = arith.constant 0 : i32
      %dma_wait3A_219 = arith.constant 0 : i32
      %dma_wait3A_220 = tpu.memref_slice %arg12[%dma_wait3A_217, %dma_wait3A_218, %dma_wait3A_219] : memref<2x128x128xf32, #tpu.memory_space<vmem>> -> memref<1x128x128xf32, #tpu.memory_space<vmem>>
      %dma_wait3A_221 = tpu.memref_squeeze %dma_wait3A_220 : memref<1x128x128xf32, #tpu.memory_space<vmem>> -> memref<128x128xf32, #tpu.memory_space<vmem>>
      %dma_wait3A_222 = arith.constant 0 : i32
      %dma_wait3A_223 = tpu.memref_slice %arg8[%dma_wait3A_216, %dma_wait3A_222] : memref<2x128xi32, #tpu.memory_space<vmem>> -> memref<1x128xi32, #tpu.memory_space<vmem>>
      %dma_wait3A_224 = tpu.memref_squeeze %dma_wait3A_223 : memref<1x128xi32, #tpu.memory_space<vmem>> -> memref<128xi32, #tpu.memory_space<vmem>>
      %dma_wait3A_225 = arith.constant 0 : i32
      %dma_wait3A_226 = arith.constant 0 : i32
      %dma_wait3A_227 = tpu.memref_slice %arg5[%dma_wait3A_225, %dma_wait3A_226] : memref<100000x128xf32, #tpu.memory_space<hbm>> -> memref<100000x128xf32, #tpu.memory_space<hbm>>
      tpu.wait_indirect_dma semaphore(%arg16 : memref<!tpu.dma_semaphore, #tpu.memory_space<semaphore_mem>>) src(%dma_wait3A_227 : memref<100000x128xf32, #tpu.memory_space<hbm>>) dst(%dma_wait3A_221 : memref<128x128xf32, #tpu.memory_space<vmem>>)
      %dma_wait3A_228 = arith.constant 1 : i32
      %dma_wait3A_229 = arith.constant 1 : i32
      %dma_wait3A_230 = arith.constant 0 : i32
      %dma_wait3A_231 = arith.constant 0 : i32
      %dma_wait3A_232 = tpu.memref_slice %arg13[%dma_wait3A_229, %dma_wait3A_230, %dma_wait3A_231] : memref<2x128x128xf32, #tpu.memory_space<vmem>> -> memref<1x128x128xf32, #tpu.memory_space<vmem>>
      %dma_wait3A_233 = tpu.memref_squeeze %dma_wait3A_232 : memref<1x128x128xf32, #tpu.memory_space<vmem>> -> memref<128x128xf32, #tpu.memory_space<vmem>>
      %dma_wait3A_234 = arith.constant 0 : i32
      %dma_wait3A_235 = tpu.memref_slice %arg11[%dma_wait3A_228, %dma_wait3A_234] : memref<2x128xi32, #tpu.memory_space<vmem>> -> memref<1x128xi32, #tpu.memory_space<vmem>>
      %dma_wait3A_236 = tpu.memref_squeeze %dma_wait3A_235 : memref<1x128xi32, #tpu.memory_space<vmem>> -> memref<128xi32, #tpu.memory_space<vmem>>
      %dma_wait3A_237 = arith.constant 0 : i32
      %dma_wait3A_238 = arith.constant 0 : i32
      %dma_wait3A_239 = tpu.memref_slice %arg6[%dma_wait3A_237, %dma_wait3A_238] : memref<7688x128xf32, #tpu.memory_space<hbm>> -> memref<7688x128xf32, #tpu.memory_space<hbm>>
      tpu.wait_indirect_dma semaphore(%arg17 : memref<!tpu.dma_semaphore, #tpu.memory_space<semaphore_mem>>) src(%dma_wait3A_239 : memref<7688x128xf32, #tpu.memory_space<hbm>>) dst(%dma_wait3A_233 : memref<128x128xf32, #tpu.memory_space<vmem>>)
      %lt3A_240 = arith.constant 199 : i32
      %lt3A_241 = arith.cmpi slt, %add3A_212, %lt3A_240 : i32
      %convert_element_type3A_242 = arith.extui %lt3A_241 : i1 to i32
      %cond3A_243 = arith.constant 0 : i32
      %cond3A_244 = arith.cmpi ne, %convert_element_type3A_242, %cond3A_243 : i32
      scf.if %cond3A_244 {
        %dma_wait3A_271 = arith.constant 0 : i32
        %dma_wait3A_272 = arith.constant 0 : i32
        %dma_wait3A_273 = tpu.memref_slice %arg8[%dma_wait3A_271, %dma_wait3A_272] : memref<2x128xi32, #tpu.memory_space<vmem>> -> memref<1x128xi32, #tpu.memory_space<vmem>>
        %dma_wait3A_274 = tpu.memref_squeeze %dma_wait3A_273 : memref<1x128xi32, #tpu.memory_space<vmem>> -> memref<128xi32, #tpu.memory_space<vmem>>
        %dma_wait3A_275 = arith.constant 0 : i32
        %dma_wait3A_276 = tpu.memref_slice %arg2[%dma_wait3A_275] : memref<819200xi32, #tpu.memory_space<hbm>> -> memref<128xi32, #tpu.memory_space<hbm>>
        %dma_wait3A_277 = arith.constant 0 : i32
        %dma_wait3A_278 = tpu.memref_slice %arg8[%dma_wait3A_271, %dma_wait3A_277] : memref<2x128xi32, #tpu.memory_space<vmem>> -> memref<1x128xi32, #tpu.memory_space<vmem>>
        %dma_wait3A_279 = tpu.memref_squeeze %dma_wait3A_278 : memref<1x128xi32, #tpu.memory_space<vmem>> -> memref<128xi32, #tpu.memory_space<vmem>>
        %dma_wait3A_280 = arith.constant 0 : i32
        %dma_wait3A_281 = tpu.memref_slice %arg2[%dma_wait3A_280] : memref<819200xi32, #tpu.memory_space<hbm>> -> memref<128xi32, #tpu.memory_space<hbm>>
        tpu.wait_dma2 semaphore(%arg15 : memref<!tpu.dma_semaphore, #tpu.memory_space<semaphore_mem>>) src(%dma_wait3A_281 : memref<128xi32, #tpu.memory_space<hbm>>) dst(%dma_wait3A_279 : memref<128xi32, #tpu.memory_space<vmem>>)
        %dma_wait3A_282 = arith.constant 0 : i32
        %dma_wait3A_283 = arith.constant 0 : i32
        %dma_wait3A_284 = tpu.memref_slice %arg9[%dma_wait3A_282, %dma_wait3A_283] : memref<2x128xi32, #tpu.memory_space<vmem>> -> memref<1x128xi32, #tpu.memory_space<vmem>>
        %dma_wait3A_285 = tpu.memref_squeeze %dma_wait3A_284 : memref<1x128xi32, #tpu.memory_space<vmem>> -> memref<128xi32, #tpu.memory_space<vmem>>
        %dma_wait3A_286 = arith.constant 0 : i32
        %dma_wait3A_287 = tpu.memref_slice %arg2[%dma_wait3A_286] : memref<819200xi32, #tpu.memory_space<hbm>> -> memref<128xi32, #tpu.memory_space<hbm>>
        %dma_wait3A_288 = arith.constant 0 : i32
        %dma_wait3A_289 = tpu.memref_slice %arg9[%dma_wait3A_282, %dma_wait3A_288] : memref<2x128xi32, #tpu.memory_space<vmem>> -> memref<1x128xi32, #tpu.memory_space<vmem>>
        %dma_wait3A_290 = tpu.memref_squeeze %dma_wait3A_289 : memref<1x128xi32, #tpu.memory_space<vmem>> -> memref<128xi32, #tpu.memory_space<vmem>>
        %dma_wait3A_291 = arith.constant 0 : i32
        %dma_wait3A_292 = tpu.memref_slice %arg2[%dma_wait3A_291] : memref<819200xi32, #tpu.memory_space<hbm>> -> memref<128xi32, #tpu.memory_space<hbm>>
        tpu.wait_dma2 semaphore(%arg15 : memref<!tpu.dma_semaphore, #tpu.memory_space<semaphore_mem>>) src(%dma_wait3A_292 : memref<128xi32, #tpu.memory_space<hbm>>) dst(%dma_wait3A_290 : memref<128xi32, #tpu.memory_space<vmem>>)
        %dma_wait3A_293 = arith.constant 0 : i32
        %dma_wait3A_294 = arith.constant 0 : i32
        %dma_wait3A_295 = tpu.memref_slice %arg10[%dma_wait3A_293, %dma_wait3A_294] : memref<2x128xi32, #tpu.memory_space<vmem>> -> memref<1x128xi32, #tpu.memory_space<vmem>>
        %dma_wait3A_296 = tpu.memref_squeeze %dma_wait3A_295 : memref<1x128xi32, #tpu.memory_space<vmem>> -> memref<128xi32, #tpu.memory_space<vmem>>
        %dma_wait3A_297 = arith.constant 0 : i32
        %dma_wait3A_298 = tpu.memref_slice %arg2[%dma_wait3A_297] : memref<819200xi32, #tpu.memory_space<hbm>> -> memref<128xi32, #tpu.memory_space<hbm>>
        %dma_wait3A_299 = arith.constant 0 : i32
        %dma_wait3A_300 = tpu.memref_slice %arg10[%dma_wait3A_293, %dma_wait3A_299] : memref<2x128xi32, #tpu.memory_space<vmem>> -> memref<1x128xi32, #tpu.memory_space<vmem>>
        %dma_wait3A_301 = tpu.memref_squeeze %dma_wait3A_300 : memref<1x128xi32, #tpu.memory_space<vmem>> -> memref<128xi32, #tpu.memory_space<vmem>>
        %dma_wait3A_302 = arith.constant 0 : i32
        %dma_wait3A_303 = tpu.memref_slice %arg2[%dma_wait3A_302] : memref<819200xi32, #tpu.memory_space<hbm>> -> memref<128xi32, #tpu.memory_space<hbm>>
        tpu.wait_dma2 semaphore(%arg15 : memref<!tpu.dma_semaphore, #tpu.memory_space<semaphore_mem>>) src(%dma_wait3A_303 : memref<128xi32, #tpu.memory_space<hbm>>) dst(%dma_wait3A_301 : memref<128xi32, #tpu.memory_space<vmem>>)
        %parallel_loop3A_304 = arith.constant 0 : i32
        %parallel_loop3A_305 = arith.constant 8 : i32
        %parallel_loop3A_306 = arith.constant 1 : i32
        scf.for %parallel_loop3A_331 = %parallel_loop3A_304 to %parallel_loop3A_305 step %parallel_loop3A_306  : i32 {
          %parallel_loop3A_332 = arith.constant 16 : i32
          %parallel_loop3A_333 = arith.muli %parallel_loop3A_331, %parallel_loop3A_332 : i32
          %parallel_loop3A_334 = arith.constant 0 : i32
          %parallel_loop3A_335 = arith.index_cast %parallel_loop3A_334 : i32 to index
          %parallel_loop3A_336 = arith.index_cast %parallel_loop3A_333 : i32 to index
          %parallel_loop3A_337 = tpu.vector_load %arg8[%parallel_loop3A_335, %parallel_loop3A_336] {strides = array<i32>} : memref<2x128xi32, #tpu.memory_space<vmem>>, vector<1x16xi32>,
          %parallel_loop3A_338 = vector.shape_cast %parallel_loop3A_337 : vector<1x16xi32> to vector<16xi32>
          %parallel_loop3A_339 = arith.constant 0 : i32
          %parallel_loop3A_340 = arith.index_cast %parallel_loop3A_339 : i32 to index
          %parallel_loop3A_341 = arith.index_cast %parallel_loop3A_333 : i32 to index
          %parallel_loop3A_342 = tpu.vector_load %arg9[%parallel_loop3A_340, %parallel_loop3A_341] {strides = array<i32>} : memref<2x128xi32, #tpu.memory_space<vmem>>, vector<1x16xi32>,
          %parallel_loop3A_343 = vector.shape_cast %parallel_loop3A_342 : vector<1x16xi32> to vector<16xi32>
          %parallel_loop3A_344 = arith.constant 0 : i32
          %parallel_loop3A_345 = arith.index_cast %parallel_loop3A_344 : i32 to index
          %parallel_loop3A_346 = arith.index_cast %parallel_loop3A_333 : i32 to index
          %parallel_loop3A_347 = tpu.vector_load %arg10[%parallel_loop3A_345, %parallel_loop3A_346] {strides = array<i32>} : memref<2x128xi32, #tpu.memory_space<vmem>>, vector<1x16xi32>,
          %parallel_loop3A_348 = vector.shape_cast %parallel_loop3A_347 : vector<1x16xi32> to vector<16xi32>
          %parallel_loop3A_349 = arith.constant 62 : i32
          %parallel_loop3A_350 = vector.broadcast %parallel_loop3A_349 : i32 to vector<16xi32>
          %parallel_loop3A_351 = arith.muli %parallel_loop3A_343, %parallel_loop3A_350 : vector<16xi32>
          %parallel_loop3A_352 = arith.addi %parallel_loop3A_351, %parallel_loop3A_348 : vector<16xi32>
          %parallel_loop3A_353 = arith.constant 0 : i32
          %parallel_loop3A_354 = vector.broadcast %parallel_loop3A_353 : i32 to vector<16xi32>
          %parallel_loop3A_355 = arith.cmpi eq, %parallel_loop3A_338, %parallel_loop3A_354 : vector<16xi32>
          %parallel_loop3A_356 = arith.constant 3844 : i32
          %parallel_loop3A_357 = arith.constant 0 : i32
          %parallel_loop3A_358 = vector.broadcast %parallel_loop3A_356 : i32 to vector<16xi32>
          %parallel_loop3A_359 = vector.broadcast %parallel_loop3A_357 : i32 to vector<16xi32>
          %parallel_loop3A_360 = arith.select %parallel_loop3A_355, %parallel_loop3A_358, %parallel_loop3A_359 : vector<16xi1>, vector<16xi32>
          %parallel_loop3A_361 = arith.addi %parallel_loop3A_352, %parallel_loop3A_360 : vector<16xi32>
          %parallel_loop3A_362 = arith.constant 0 : i32
          %parallel_loop3A_363 = arith.index_cast %parallel_loop3A_362 : i32 to index
          %parallel_loop3A_364 = arith.index_cast %parallel_loop3A_333 : i32 to index
          %parallel_loop3A_365 = tpu.vector_load %arg11[%parallel_loop3A_363, %parallel_loop3A_364] {strides = array<i32>} : memref<2x128xi32, #tpu.memory_space<vmem>>, vector<1x16xi32>,
          %parallel_loop3A_366 = vector.shape_cast %parallel_loop3A_365 : vector<1x16xi32> to vector<16xi32>
          %parallel_loop3A_367 = vector.shape_cast %parallel_loop3A_361 : vector<16xi32> to vector<1x16xi32>
          tpu.vector_store %arg11[%parallel_loop3A_363, %parallel_loop3A_364], %parallel_loop3A_367 {strides = array<i32>} : memref<2x128xi32, #tpu.memory_space<vmem>>, vector<1x16xi32>,
        } {sc.loop_unroll_factor = 4 : i64, sc.parallel_access}
        %dma_start3A_307 = arith.constant 0 : i32
        %dma_start3A_308 = arith.constant 0 : i32
        %dma_start3A_309 = arith.constant 0 : i32
        %dma_start3A_310 = arith.constant 0 : i32
        %dma_start3A_311 = tpu.memref_slice %arg12[%dma_start3A_308, %dma_start3A_309, %dma_start3A_310] : memref<2x128x128xf32, #tpu.memory_space<vmem>> -> memref<1x128x128xf32, #tpu.memory_space<vmem>>
        %dma_start3A_312 = tpu.memref_squeeze %dma_start3A_311 : memref<1x128x128xf32, #tpu.memory_space<vmem>> -> memref<128x128xf32, #tpu.memory_space<vmem>>
        %dma_start3A_313 = arith.constant 0 : i32
        %dma_start3A_314 = tpu.memref_slice %arg8[%dma_start3A_307, %dma_start3A_313] : memref<2x128xi32, #tpu.memory_space<vmem>> -> memref<1x128xi32, #tpu.memory_space<vmem>>
        %dma_start3A_315 = tpu.memref_squeeze %dma_start3A_314 : memref<1x128xi32, #tpu.memory_space<vmem>> -> memref<128xi32, #tpu.memory_space<vmem>>
        %dma_start3A_316 = arith.constant 0 : i32
        %dma_start3A_317 = arith.constant 0 : i32
        %dma_start3A_318 = tpu.memref_slice %arg5[%dma_start3A_316, %dma_start3A_317] : memref<100000x128xf32, #tpu.memory_space<hbm>> -> memref<100000x128xf32, #tpu.memory_space<hbm>>
        tpu.enqueue_indirect_dma source(%dma_start3A_318 : memref<100000x128xf32, #tpu.memory_space<hbm>>) target(%dma_start3A_312 : memref<128x128xf32, #tpu.memory_space<vmem>>) offsets(%dma_start3A_315 : memref<128xi32, #tpu.memory_space<vmem>>) semaphore(%arg16 : memref<!tpu.dma_semaphore, #tpu.memory_space<semaphore_mem>>)
        %dma_start3A_319 = arith.constant 0 : i32
        %dma_start3A_320 = arith.constant 0 : i32
        %dma_start3A_321 = arith.constant 0 : i32
        %dma_start3A_322 = arith.constant 0 : i32
        %dma_start3A_323 = tpu.memref_slice %arg13[%dma_start3A_320, %dma_start3A_321, %dma_start3A_322] : memref<2x128x128xf32, #tpu.memory_space<vmem>> -> memref<1x128x128xf32, #tpu.memory_space<vmem>>
        %dma_start3A_324 = tpu.memref_squeeze %dma_start3A_323 : memref<1x128x128xf32, #tpu.memory_space<vmem>> -> memref<128x128xf32, #tpu.memory_space<vmem>>
        %dma_start3A_325 = arith.constant 0 : i32
        %dma_start3A_326 = tpu.memref_slice %arg11[%dma_start3A_319, %dma_start3A_325] : memref<2x128xi32, #tpu.memory_space<vmem>> -> memref<1x128xi32, #tpu.memory_space<vmem>>
        %dma_start3A_327 = tpu.memref_squeeze %dma_start3A_326 : memref<1x128xi32, #tpu.memory_space<vmem>> -> memref<128xi32, #tpu.memory_space<vmem>>
        %dma_start3A_328 = arith.constant 0 : i32
        %dma_start3A_329 = arith.constant 0 : i32
        %dma_start3A_330 = tpu.memref_slice %arg6[%dma_start3A_328, %dma_start3A_329] : memref<7688x128xf32, #tpu.memory_space<hbm>> -> memref<7688x128xf32, #tpu.memory_space<hbm>>
        tpu.enqueue_indirect_dma source(%dma_start3A_330 : memref<7688x128xf32, #tpu.memory_space<hbm>>) target(%dma_start3A_324 : memref<128x128xf32, #tpu.memory_space<vmem>>) offsets(%dma_start3A_327 : memref<128xi32, #tpu.memory_space<vmem>>) semaphore(%arg17 : memref<!tpu.dma_semaphore, #tpu.memory_space<semaphore_mem>>)
      } else {
      }
      %lt3A_245 = arith.constant 198 : i32
      %lt3A_246 = arith.cmpi slt, %add3A_212, %lt3A_245 : i32
      %convert_element_type3A_247 = arith.extui %lt3A_246 : i1 to i32
      %cond3A_248 = arith.constant 0 : i32
      %cond3A_249 = arith.cmpi ne, %convert_element_type3A_247, %cond3A_248 : i32
      scf.if %cond3A_249 {
        %add3A_271 = arith.constant 256 : i32
        %add3A_272 = arith.addi %add3A_215, %add3A_271 : i32
        %dma_start3A_273 = arith.constant 1 : i32
        %dma_start3A_274 = arith.constant 0 : i32
        %dma_start3A_275 = tpu.memref_slice %arg8[%dma_start3A_273, %dma_start3A_274] : memref<2x128xi32, #tpu.memory_space<vmem>> -> memref<1x128xi32, #tpu.memory_space<vmem>>
        %dma_start3A_276 = tpu.memref_squeeze %dma_start3A_275 : memref<1x128xi32, #tpu.memory_space<vmem>> -> memref<128xi32, #tpu.memory_space<vmem>>
        %dma_start3A_277 = tpu.memref_slice %arg2[%add3A_272] : memref<819200xi32, #tpu.memory_space<hbm>> -> memref<128xi32, #tpu.memory_space<hbm>>
        %dma_start3A_278 = arith.constant 0 : i32
        %dma_start3A_279 = tpu.memref_slice %arg8[%dma_start3A_273, %dma_start3A_278] : memref<2x128xi32, #tpu.memory_space<vmem>> -> memref<1x128xi32, #tpu.memory_space<vmem>>
        %dma_start3A_280 = tpu.memref_squeeze %dma_start3A_279 : memref<1x128xi32, #tpu.memory_space<vmem>> -> memref<128xi32, #tpu.memory_space<vmem>>
        %dma_start3A_281 = tpu.memref_slice %arg2[%add3A_272] : memref<819200xi32, #tpu.memory_space<hbm>> -> memref<128xi32, #tpu.memory_space<hbm>>
        tpu.enqueue_dma source(%dma_start3A_281 : memref<128xi32, #tpu.memory_space<hbm>>) target(%dma_start3A_280 : memref<128xi32, #tpu.memory_space<vmem>>) target_semaphore(%arg15 : memref<!tpu.dma_semaphore, #tpu.memory_space<semaphore_mem>>)
        %dma_start3A_282 = arith.constant 1 : i32
        %dma_start3A_283 = arith.constant 0 : i32
        %dma_start3A_284 = tpu.memref_slice %arg9[%dma_start3A_282, %dma_start3A_283] : memref<2x128xi32, #tpu.memory_space<vmem>> -> memref<1x128xi32, #tpu.memory_space<vmem>>
        %dma_start3A_285 = tpu.memref_squeeze %dma_start3A_284 : memref<1x128xi32, #tpu.memory_space<vmem>> -> memref<128xi32, #tpu.memory_space<vmem>>
        %dma_start3A_286 = tpu.memref_slice %arg3[%add3A_272] : memref<819200xi32, #tpu.memory_space<hbm>> -> memref<128xi32, #tpu.memory_space<hbm>>
        %dma_start3A_287 = arith.constant 0 : i32
        %dma_start3A_288 = tpu.memref_slice %arg9[%dma_start3A_282, %dma_start3A_287] : memref<2x128xi32, #tpu.memory_space<vmem>> -> memref<1x128xi32, #tpu.memory_space<vmem>>
        %dma_start3A_289 = tpu.memref_squeeze %dma_start3A_288 : memref<1x128xi32, #tpu.memory_space<vmem>> -> memref<128xi32, #tpu.memory_space<vmem>>
        %dma_start3A_290 = tpu.memref_slice %arg3[%add3A_272] : memref<819200xi32, #tpu.memory_space<hbm>> -> memref<128xi32, #tpu.memory_space<hbm>>
        tpu.enqueue_dma source(%dma_start3A_290 : memref<128xi32, #tpu.memory_space<hbm>>) target(%dma_start3A_289 : memref<128xi32, #tpu.memory_space<vmem>>) target_semaphore(%arg15 : memref<!tpu.dma_semaphore, #tpu.memory_space<semaphore_mem>>)
        %dma_start3A_291 = arith.constant 1 : i32
        %dma_start3A_292 = arith.constant 0 : i32
        %dma_start3A_293 = tpu.memref_slice %arg10[%dma_start3A_291, %dma_start3A_292] : memref<2x128xi32, #tpu.memory_space<vmem>> -> memref<1x128xi32, #tpu.memory_space<vmem>>
        %dma_start3A_294 = tpu.memref_squeeze %dma_start3A_293 : memref<1x128xi32, #tpu.memory_space<vmem>> -> memref<128xi32, #tpu.memory_space<vmem>>
        %dma_start3A_295 = tpu.memref_slice %arg4[%add3A_272] : memref<819200xi32, #tpu.memory_space<hbm>> -> memref<128xi32, #tpu.memory_space<hbm>>
        %dma_start3A_296 = arith.constant 0 : i32
        %dma_start3A_297 = tpu.memref_slice %arg10[%dma_start3A_291, %dma_start3A_296] : memref<2x128xi32, #tpu.memory_space<vmem>> -> memref<1x128xi32, #tpu.memory_space<vmem>>
        %dma_start3A_298 = tpu.memref_squeeze %dma_start3A_297 : memref<1x128xi32, #tpu.memory_space<vmem>> -> memref<128xi32, #tpu.memory_space<vmem>>
        %dma_start3A_299 = tpu.memref_slice %arg4[%add3A_272] : memref<819200xi32, #tpu.memory_space<hbm>> -> memref<128xi32, #tpu.memory_space<hbm>>
        tpu.enqueue_dma source(%dma_start3A_299 : memref<128xi32, #tpu.memory_space<hbm>>) target(%dma_start3A_298 : memref<128xi32, #tpu.memory_space<vmem>>) target_semaphore(%arg15 : memref<!tpu.dma_semaphore, #tpu.memory_space<semaphore_mem>>)
      } else {
      }
      %ge3A_250 = arith.constant 2 : i32
      %ge3A_251 = arith.cmpi sge, %add3A_212, %ge3A_250 : i32
      %convert_element_type3A_252 = arith.extui %ge3A_251 : i1 to i32
      %cond3A_253 = arith.constant 0 : i32
      %cond3A_254 = arith.cmpi ne, %convert_element_type3A_252, %cond3A_253 : i32
      scf.if %cond3A_254 {
        %dma_wait3A_271 = arith.constant 0 : i32
        %dma_wait3A_272 = arith.constant 0 : i32
        %dma_wait3A_273 = arith.constant 0 : i32
        %dma_wait3A_274 = tpu.memref_slice %arg14[%dma_wait3A_271, %dma_wait3A_272, %dma_wait3A_273] : memref<2x128x60xf32, #tpu.memory_space<vmem>> -> memref<1x128x60xf32, #tpu.memory_space<vmem>>
        %dma_wait3A_275 = tpu.memref_squeeze %dma_wait3A_274 : memref<1x128x60xf32, #tpu.memory_space<vmem>> -> memref<128x60xf32, #tpu.memory_space<vmem>>
        %dma_wait3A_276 = arith.constant 0 : i32
        %dma_wait3A_277 = arith.constant 0 : i32
        %dma_wait3A_278 = tpu.memref_slice %arg7[%dma_wait3A_276, %dma_wait3A_277] : memref<819200x60xf32, #tpu.memory_space<hbm>> -> memref<128x60xf32, #tpu.memory_space<hbm>>
        %dma_wait3A_279 = arith.constant 0 : i32
        %dma_wait3A_280 = arith.constant 0 : i32
        %dma_wait3A_281 = tpu.memref_slice %arg7[%dma_wait3A_279, %dma_wait3A_280] : memref<819200x60xf32, #tpu.memory_space<hbm>> -> memref<128x60xf32, #tpu.memory_space<hbm>>
        %dma_wait3A_282 = arith.constant 0 : i32
        %dma_wait3A_283 = arith.constant 0 : i32
        %dma_wait3A_284 = tpu.memref_slice %arg14[%dma_wait3A_271, %dma_wait3A_282, %dma_wait3A_283] : memref<2x128x60xf32, #tpu.memory_space<vmem>> -> memref<1x128x60xf32, #tpu.memory_space<vmem>>
        %dma_wait3A_285 = tpu.memref_squeeze %dma_wait3A_284 : memref<1x128x60xf32, #tpu.memory_space<vmem>> -> memref<128x60xf32, #tpu.memory_space<vmem>>
        tpu.wait_dma2 semaphore(%arg18 : memref<!tpu.dma_semaphore, #tpu.memory_space<semaphore_mem>>) src(%dma_wait3A_285 : memref<128x60xf32, #tpu.memory_space<vmem>>) dst(%dma_wait3A_281 : memref<128x60xf32, #tpu.memory_space<hbm>>)
      } else {
      }
      %parallel_loop3A_255 = arith.constant 0 : i32
      %parallel_loop3A_256 = arith.constant 128 : i32
      %parallel_loop3A_257 = arith.constant 1 : i32
      scf.for %parallel_loop3A_271 = %parallel_loop3A_255 to %parallel_loop3A_256 step %parallel_loop3A_257  : i32 {
        %parallel_loop3A_272 = arith.constant 1 : i32
        %parallel_loop3A_273 = arith.index_cast %parallel_loop3A_272 : i32 to index
        %parallel_loop3A_274 = arith.index_cast %parallel_loop3A_271 : i32 to index
        %parallel_loop3A_275 = arith.constant 0 : index
        %parallel_loop3A_276 = tpu.vector_load %arg12[%parallel_loop3A_273, %parallel_loop3A_274, %parallel_loop3A_275] {strides = array<i32>} : memref<2x128x128xf32, #tpu.memory_space<vmem>>, vector<1x1x16xf32>,
        %parallel_loop3A_277 = vector.shape_cast %parallel_loop3A_276 : vector<1x1x16xf32> to vector<16xf32>
        %parallel_loop3A_278 = arith.constant 1 : i32
        %parallel_loop3A_279 = arith.index_cast %parallel_loop3A_278 : i32 to index
        %parallel_loop3A_280 = arith.index_cast %parallel_loop3A_271 : i32 to index
        %parallel_loop3A_281 = arith.constant 0 : index
        %parallel_loop3A_282 = tpu.vector_load %arg13[%parallel_loop3A_279, %parallel_loop3A_280, %parallel_loop3A_281] {strides = array<i32>} : memref<2x128x128xf32, #tpu.memory_space<vmem>>, vector<1x1x16xf32>,
        %parallel_loop3A_283 = vector.shape_cast %parallel_loop3A_282 : vector<1x1x16xf32> to vector<16xf32>
        %parallel_loop3A_284 = arith.addf %parallel_loop3A_277, %parallel_loop3A_283 : vector<16xf32>
        %parallel_loop3A_285 = arith.constant 1 : i32
        %parallel_loop3A_286 = arith.index_cast %parallel_loop3A_285 : i32 to index
        %parallel_loop3A_287 = arith.index_cast %parallel_loop3A_271 : i32 to index
        %parallel_loop3A_288 = arith.constant 0 : index
        %parallel_loop3A_289 = tpu.vector_load %arg14[%parallel_loop3A_286, %parallel_loop3A_287, %parallel_loop3A_288] {strides = array<i32>} : memref<2x128x60xf32, #tpu.memory_space<vmem>>, vector<1x1x16xf32>,
        %parallel_loop3A_290 = vector.shape_cast %parallel_loop3A_289 : vector<1x1x16xf32> to vector<16xf32>
        %parallel_loop3A_291 = vector.shape_cast %parallel_loop3A_284 : vector<16xf32> to vector<1x1x16xf32>
        tpu.vector_store %arg14[%parallel_loop3A_286, %parallel_loop3A_287, %parallel_loop3A_288], %parallel_loop3A_291 {strides = array<i32>} : memref<2x128x60xf32, #tpu.memory_space<vmem>>, vector<1x1x16xf32>,
        %parallel_loop3A_292 = arith.constant 1 : i32
        %parallel_loop3A_293 = arith.index_cast %parallel_loop3A_292 : i32 to index
        %parallel_loop3A_294 = arith.index_cast %parallel_loop3A_271 : i32 to index
        %parallel_loop3A_295 = arith.constant 16 : index
        %parallel_loop3A_296 = tpu.vector_load %arg12[%parallel_loop3A_293, %parallel_loop3A_294, %parallel_loop3A_295] {strides = array<i32>} : memref<2x128x128xf32, #tpu.memory_space<vmem>>, vector<1x1x16xf32>,
        %parallel_loop3A_297 = vector.shape_cast %parallel_loop3A_296 : vector<1x1x16xf32> to vector<16xf32>
        %parallel_loop3A_298 = arith.constant 1 : i32
        %parallel_loop3A_299 = arith.index_cast %parallel_loop3A_298 : i32 to index
        %parallel_loop3A_300 = arith.index_cast %parallel_loop3A_271 : i32 to index
        %parallel_loop3A_301 = arith.constant 16 : index
        %parallel_loop3A_302 = tpu.vector_load %arg13[%parallel_loop3A_299, %parallel_loop3A_300, %parallel_loop3A_301] {strides = array<i32>} : memref<2x128x128xf32, #tpu.memory_space<vmem>>, vector<1x1x16xf32>,
        %parallel_loop3A_303 = vector.shape_cast %parallel_loop3A_302 : vector<1x1x16xf32> to vector<16xf32>
        %parallel_loop3A_304 = arith.addf %parallel_loop3A_297, %parallel_loop3A_303 : vector<16xf32>
        %parallel_loop3A_305 = arith.constant 1 : i32
        %parallel_loop3A_306 = arith.index_cast %parallel_loop3A_305 : i32 to index
        %parallel_loop3A_307 = arith.index_cast %parallel_loop3A_271 : i32 to index
        %parallel_loop3A_308 = arith.constant 16 : index
        %parallel_loop3A_309 = tpu.vector_load %arg14[%parallel_loop3A_306, %parallel_loop3A_307, %parallel_loop3A_308] {strides = array<i32>} : memref<2x128x60xf32, #tpu.memory_space<vmem>>, vector<1x1x16xf32>,
        %parallel_loop3A_310 = vector.shape_cast %parallel_loop3A_309 : vector<1x1x16xf32> to vector<16xf32>
        %parallel_loop3A_311 = vector.shape_cast %parallel_loop3A_304 : vector<16xf32> to vector<1x1x16xf32>
        tpu.vector_store %arg14[%parallel_loop3A_306, %parallel_loop3A_307, %parallel_loop3A_308], %parallel_loop3A_311 {strides = array<i32>} : memref<2x128x60xf32, #tpu.memory_space<vmem>>, vector<1x1x16xf32>,
        %parallel_loop3A_312 = arith.constant 1 : i32
        %parallel_loop3A_313 = arith.index_cast %parallel_loop3A_312 : i32 to index
        %parallel_loop3A_314 = arith.index_cast %parallel_loop3A_271 : i32 to index
        %parallel_loop3A_315 = arith.constant 32 : index
        %parallel_loop3A_316 = tpu.vector_load %arg12[%parallel_loop3A_313, %parallel_loop3A_314, %parallel_loop3A_315] {strides = array<i32>} : memref<2x128x128xf32, #tpu.memory_space<vmem>>, vector<1x1x16xf32>,
        %parallel_loop3A_317 = vector.shape_cast %parallel_loop3A_316 : vector<1x1x16xf32> to vector<16xf32>
        %parallel_loop3A_318 = arith.constant 1 : i32
        %parallel_loop3A_319 = arith.index_cast %parallel_loop3A_318 : i32 to index
        %parallel_loop3A_320 = arith.index_cast %parallel_loop3A_271 : i32 to index
        %parallel_loop3A_321 = arith.constant 32 : index
        %parallel_loop3A_322 = tpu.vector_load %arg13[%parallel_loop3A_319, %parallel_loop3A_320, %parallel_loop3A_321] {strides = array<i32>} : memref<2x128x128xf32, #tpu.memory_space<vmem>>, vector<1x1x16xf32>,
        %parallel_loop3A_323 = vector.shape_cast %parallel_loop3A_322 : vector<1x1x16xf32> to vector<16xf32>
        %parallel_loop3A_324 = arith.addf %parallel_loop3A_317, %parallel_loop3A_323 : vector<16xf32>
        %parallel_loop3A_325 = arith.constant 1 : i32
        %parallel_loop3A_326 = arith.index_cast %parallel_loop3A_325 : i32 to index
        %parallel_loop3A_327 = arith.index_cast %parallel_loop3A_271 : i32 to index
        %parallel_loop3A_328 = arith.constant 32 : index
        %parallel_loop3A_329 = tpu.vector_load %arg14[%parallel_loop3A_326, %parallel_loop3A_327, %parallel_loop3A_328] {strides = array<i32>} : memref<2x128x60xf32, #tpu.memory_space<vmem>>, vector<1x1x16xf32>,
        %parallel_loop3A_330 = vector.shape_cast %parallel_loop3A_329 : vector<1x1x16xf32> to vector<16xf32>
        %parallel_loop3A_331 = vector.shape_cast %parallel_loop3A_324 : vector<16xf32> to vector<1x1x16xf32>
        tpu.vector_store %arg14[%parallel_loop3A_326, %parallel_loop3A_327, %parallel_loop3A_328], %parallel_loop3A_331 {strides = array<i32>} : memref<2x128x60xf32, #tpu.memory_space<vmem>>, vector<1x1x16xf32>,
        %parallel_loop3A_332 = arith.constant 1 : i32
        %parallel_loop3A_333 = arith.index_cast %parallel_loop3A_332 : i32 to index
        %parallel_loop3A_334 = arith.index_cast %parallel_loop3A_271 : i32 to index
        %parallel_loop3A_335 = arith.constant 44 : index
        %parallel_loop3A_336 = tpu.vector_load %arg12[%parallel_loop3A_333, %parallel_loop3A_334, %parallel_loop3A_335] {strides = array<i32>} : memref<2x128x128xf32, #tpu.memory_space<vmem>>, vector<1x1x16xf32>,
        %parallel_loop3A_337 = vector.shape_cast %parallel_loop3A_336 : vector<1x1x16xf32> to vector<16xf32>
        %parallel_loop3A_338 = arith.constant 1 : i32
        %parallel_loop3A_339 = arith.index_cast %parallel_loop3A_338 : i32 to index
        %parallel_loop3A_340 = arith.index_cast %parallel_loop3A_271 : i32 to index
        %parallel_loop3A_341 = arith.constant 44 : index
        %parallel_loop3A_342 = tpu.vector_load %arg13[%parallel_loop3A_339, %parallel_loop3A_340, %parallel_loop3A_341] {strides = array<i32>} : memref<2x128x128xf32, #tpu.memory_space<vmem>>, vector<1x1x16xf32>,
        %parallel_loop3A_343 = vector.shape_cast %parallel_loop3A_342 : vector<1x1x16xf32> to vector<16xf32>
        %parallel_loop3A_344 = arith.addf %parallel_loop3A_337, %parallel_loop3A_343 : vector<16xf32>
        %parallel_loop3A_345 = arith.constant 1 : i32
        %parallel_loop3A_346 = arith.index_cast %parallel_loop3A_345 : i32 to index
        %parallel_loop3A_347 = arith.index_cast %parallel_loop3A_271 : i32 to index
        %parallel_loop3A_348 = arith.constant 44 : index
        %parallel_loop3A_349 = tpu.vector_load %arg14[%parallel_loop3A_346, %parallel_loop3A_347, %parallel_loop3A_348] {strides = array<i32>} : memref<2x128x60xf32, #tpu.memory_space<vmem>>, vector<1x1x16xf32>,
        %parallel_loop3A_350 = vector.shape_cast %parallel_loop3A_349 : vector<1x1x16xf32> to vector<16xf32>
        %parallel_loop3A_351 = vector.shape_cast %parallel_loop3A_344 : vector<16xf32> to vector<1x1x16xf32>
        tpu.vector_store %arg14[%parallel_loop3A_346, %parallel_loop3A_347, %parallel_loop3A_348], %parallel_loop3A_351 {strides = array<i32>} : memref<2x128x60xf32, #tpu.memory_space<vmem>>, vector<1x1x16xf32>,
      } {sc.loop_unroll_factor = 8 : i64, sc.parallel_access}
      %dma_start3A_258 = arith.constant 1 : i32
      %dma_start3A_259 = arith.constant 0 : i32
      %dma_start3A_260 = arith.constant 0 : i32
      %dma_start3A_261 = tpu.memref_slice %arg14[%dma_start3A_258, %dma_start3A_259, %dma_start3A_260] : memref<2x128x60xf32, #tpu.memory_space<vmem>> -> memref<1x128x60xf32, #tpu.memory_space<vmem>>
      %dma_start3A_262 = tpu.memref_squeeze %dma_start3A_261 : memref<1x128x60xf32, #tpu.memory_space<vmem>> -> memref<128x60xf32, #tpu.memory_space<vmem>>
      %dma_start3A_263 = arith.constant 0 : i32
      %dma_start3A_264 = tpu.memref_slice %arg7[%add3A_215, %dma_start3A_263] : memref<819200x60xf32, #tpu.memory_space<hbm>> -> memref<128x60xf32, #tpu.memory_space<hbm>>
      %dma_start3A_265 = arith.constant 0 : i32
      %dma_start3A_266 = tpu.memref_slice %arg7[%add3A_215, %dma_start3A_265] : memref<819200x60xf32, #tpu.memory_space<hbm>> -> memref<128x60xf32, #tpu.memory_space<hbm>>
      %dma_start3A_267 = arith.constant 0 : i32
      %dma_start3A_268 = arith.constant 0 : i32
      %dma_start3A_269 = tpu.memref_slice %arg14[%dma_start3A_258, %dma_start3A_267, %dma_start3A_268] : memref<2x128x60xf32, #tpu.memory_space<vmem>> -> memref<1x128x60xf32, #tpu.memory_space<vmem>>
      %dma_start3A_270 = tpu.memref_squeeze %dma_start3A_269 : memref<1x128x60xf32, #tpu.memory_space<vmem>> -> memref<128x60xf32, #tpu.memory_space<vmem>>
      tpu.enqueue_dma source(%dma_start3A_270 : memref<128x60xf32, #tpu.memory_space<vmem>>) target(%dma_start3A_266 : memref<128x60xf32, #tpu.memory_space<hbm>>) target_semaphore(%arg18 : memref<!tpu.dma_semaphore, #tpu.memory_space<semaphore_mem>>)
    }
    %scan3A_119 = arith.constant 100 : i32
    %dma_wait3A_120 = arith.constant 0 : i32
    %dma_wait3A_121 = arith.constant 0 : i32
    %dma_wait3A_122 = arith.constant 0 : i32
    %dma_wait3A_123 = tpu.memref_slice %arg14[%dma_wait3A_120, %dma_wait3A_121, %dma_wait3A_122] : memref<2x128x60xf32, #tpu.memory_space<vmem>> -> memref<1x128x60xf32, #tpu.memory_space<vmem>>
    %dma_wait3A_124 = tpu.memref_squeeze %dma_wait3A_123 : memref<1x128x60xf32, #tpu.memory_space<vmem>> -> memref<128x60xf32, #tpu.memory_space<vmem>>
    %dma_wait3A_125 = arith.constant 0 : i32
    %dma_wait3A_126 = arith.constant 0 : i32
    %dma_wait3A_127 = tpu.memref_slice %arg7[%dma_wait3A_125, %dma_wait3A_126] : memref<819200x60xf32, #tpu.memory_space<hbm>> -> memref<128x60xf32, #tpu.memory_space<hbm>>
    %dma_wait3A_128 = arith.constant 0 : i32
    %dma_wait3A_129 = arith.constant 0 : i32
    %dma_wait3A_130 = tpu.memref_slice %arg7[%dma_wait3A_128, %dma_wait3A_129] : memref<819200x60xf32, #tpu.memory_space<hbm>> -> memref<128x60xf32, #tpu.memory_space<hbm>>
    %dma_wait3A_131 = arith.constant 0 : i32
    %dma_wait3A_132 = arith.constant 0 : i32
    %dma_wait3A_133 = tpu.memref_slice %arg14[%dma_wait3A_120, %dma_wait3A_131, %dma_wait3A_132] : memref<2x128x60xf32, #tpu.memory_space<vmem>> -> memref<1x128x60xf32, #tpu.memory_space<vmem>>
    %dma_wait3A_134 = tpu.memref_squeeze %dma_wait3A_133 : memref<1x128x60xf32, #tpu.memory_space<vmem>> -> memref<128x60xf32, #tpu.memory_space<vmem>>
    tpu.wait_dma2 semaphore(%arg18 : memref<!tpu.dma_semaphore, #tpu.memory_space<semaphore_mem>>) src(%dma_wait3A_134 : memref<128x60xf32, #tpu.memory_space<vmem>>) dst(%dma_wait3A_130 : memref<128x60xf32, #tpu.memory_space<hbm>>)
    %dma_wait3A_135 = arith.constant 0 : i32
    %dma_wait3A_136 = arith.constant 0 : i32
    %dma_wait3A_137 = arith.constant 0 : i32
    %dma_wait3A_138 = tpu.memref_slice %arg14[%dma_wait3A_135, %dma_wait3A_136, %dma_wait3A_137] : memref<2x128x60xf32, #tpu.memory_space<vmem>> -> memref<1x128x60xf32, #tpu.memory_space<vmem>>
    %dma_wait3A_139 = tpu.memref_squeeze %dma_wait3A_138 : memref<1x128x60xf32, #tpu.memory_space<vmem>> -> memref<128x60xf32, #tpu.memory_space<vmem>>
    %dma_wait3A_140 = arith.constant 0 : i32
    %dma_wait3A_141 = arith.constant 0 : i32
    %dma_wait3A_142 = tpu.memref_slice %arg7[%dma_wait3A_140, %dma_wait3A_141] : memref<819200x60xf32, #tpu.memory_space<hbm>> -> memref<128x60xf32, #tpu.memory_space<hbm>>
    %dma_wait3A_143 = arith.constant 0 : i32
    %dma_wait3A_144 = arith.constant 0 : i32
    %dma_wait3A_145 = tpu.memref_slice %arg7[%dma_wait3A_143, %dma_wait3A_144] : memref<819200x60xf32, #tpu.memory_space<hbm>> -> memref<128x60xf32, #tpu.memory_space<hbm>>
    %dma_wait3A_146 = arith.constant 0 : i32
    %dma_wait3A_147 = arith.constant 0 : i32
    %dma_wait3A_148 = tpu.memref_slice %arg14[%dma_wait3A_135, %dma_wait3A_146, %dma_wait3A_147] : memref<2x128x60xf32, #tpu.memory_space<vmem>> -> memref<1x128x60xf32, #tpu.memory_space<vmem>>
    %dma_wait3A_149 = tpu.memref_squeeze %dma_wait3A_148 : memref<1x128x60xf32, #tpu.memory_space<vmem>> -> memref<128x60xf32, #tpu.memory_space<vmem>>
    tpu.wait_dma2 semaphore(%arg18 : memref<!tpu.dma_semaphore, #tpu.memory_space<semaphore_mem>>) src(%dma_wait3A_149 : memref<128x60xf32, #tpu.memory_space<vmem>>) dst(%dma_wait3A_145 : memref<128x60xf32, #tpu.memory_space<hbm>>)
    return
  }
}

</mosaic_0001>

<sc_bundles>
// kernel: _emb.3.cloned.1.call-start
scs
__scs_entry_jumppad:
0x0: {  	(pc) =	sbr.rel $0x88, $3  }
0x1: {  	(tag) =	ssettag $0x0;
	lr =	simm.s32 $0x1  }
0x2: {  	[smem:$0x3F9C] =	sst lr;
	_ =	strace $0xD0000000  }
0x3: {  	_ = 	snop  }
0x4: {  	_ = 	snop  }
0x5: {  	_ = 	snop  }
0x6: {  	_ = 	snop  }
0x7: {  	_ = 	snop  }
__scs_overlays_trampoline_lowered:
0x8: {  	[smem:$0x3FAB] =	sst s0  }
0x9: {  	[smem:$0x3FAC] =	sst s1  }
0xa: {  	[smem:$0x3FAD] =	sst s2  }
0xb: {  	[smem:$0x3FAE] =	sst s3  }
0xc: {  	[smem:$0x3FAF] =	sst s4  }
0xd: {  	[smem:$0x3FB0] =	sst s5  }
0xe: {  	[smem:$0x3FB1] =	sst s6  }
0xf: {  	[smem:$0x3FB2] =	sst s7  }
0x10: {  	[smem:$0x3FB3] =	sst s8  }
0x11: {  	[smem:$0x3FB4] =	sst s9;
	s0 =	simm.s32 @!p0 $0x0  }
0x12: {  	s1 =	sld [smem:$0x3F9A];
	s0 =	simm.s32 @p0 $0x1  }
0x13: {  	[smem:$0x3FB5] =	sst s0;
	s0 =	simm.s32 @!p1 $0x0  }
0x14: {  	s2 =	sld [smem:$0x3F99];
	s0 =	simm.s32 @p1 $0x1  }
0x15: {  	[smem:$0x3FB6] =	sst s0;
	s0 =	simm.s32 @!p2 $0x0  }
0x16: {  	s3 =	sld [smem:$0x3FDB];
	s0 =	simm.s32 @p2 $0x1  }
0x17: {  	s4 =	simm.s32 $0x1BF5;
	[smem:$0x3FB8] =	sst s0  }
0x18: {  	s0 =	sld [smem:$0x3F9B];
	_ =	swait.ge [sflag:s4], $0x0  }
0x19: {  	s7 =	sld [smem:$0x3F9C]  }
0x1a: {  	s8 =	sadd.s32 $0xFFFFE003, lr  }
0x1b: {  	s9 =	sadd.s32 $0xFFFFFEF7, lr;
	s5 =	simm.s32 $0xFFFFFFFF;
	p2 =	slt.u32 s8, $0xFFFFF086  }
0x1c: {  	p1 =	slt.u32 s9, $0xF7A;
	s5 =	simm.s32 @!p2 $0x0  }
0x1d: {  	s5 =	simm.s32 @p1 $0x1;
	p0 =	seq.s32 s7, s2  }
0x1e: {  	s7 =	smul.u32 @!p0 $0xF7A, s2;
	p2 =	seq.s32 @!p0 s5, $0x0  }
0x1f: {  	s9 =	smul.u32 $0xF7A, s1;
	s8 =	simm.s32 @!p0 $0x1BF5;
	p2 =	por !p2, p0  }
0x20: {  	[sflag:s8] =	ssyncset.s32 @!p0 $0xFFFFF086;
	s6 =	sadd.s32 @!p0 s3, s7;
	s7 =	simm.s32 @!p0 $0x108  }
0x21: {  	s3 =	sadd.s32 s3, s9;
	s6 =	sadd.s32 @!p0 $0x88, s6;
	s7 =	simm.s32 @p2 $0x1082  }
0x22: {  	[simem:s7], [sflag:s8] =	dma.local @!p0 [hbm:s6], $0xF7A  }
0x23: {  	s9 =	sor.u32 $0xD0000000, s2;
	s6 =	simm.s32 $0x108;
	_ =	swait.ge @!p0 [sflag:s8], $0x0  }
0x24: {  	s3 =	sadd.s32 $0x88, s3;
	s6 =	simm.s32 @!p1 $0x1082;
	[sflag:s4] =	ssyncset.s32 $0xFFFFF086  }
0x25: {  	[simem:s6], [sflag:s4] =	dma.local [hbm:s3], $0xF7A  }
0x26: {  	[smem:$0x3F9C] =	sst s1;
	(tag) =	ssettag s2;
	_ =	strace s9  }
0x27: {  	s1 =	sld [smem:$0x3FAC]  }
0x28: {  	s2 =	sld [smem:$0x3FAD]  }
0x29: {  	s4 =	sld [smem:$0x3FAF]  }
0x2a: {  	p0 =	seq.s32 s5, $0x0;
	s5 =	sld [smem:$0x3FB0]  }
0x2b: {  	s6 =	sld [smem:$0x3FB1]  }
0x2c: {  	s7 =	sld [smem:$0x3FB2]  }
0x2d: {  	s3 =	simm.s32 $0x108;
	s8 =	sld [smem:$0x3FB3]  }
0x2e: {  	s3 =	simm.s32 @!p0 $0x1082;
	s9 =	sld [smem:$0x3FB4]  }
0x2f: {  	lr =	sadd.s32 s0, s3;
	s0 =	sld [smem:$0x3FAB]  }
0x30: {  	s3 =	sld [smem:$0x3FAE]  }
0x31: {  	[smem:$0x3FB7] =	sst s10  }
0x32: {  	s10 =	sld [smem:$0x3FB5];
	_ =	sdelay $0x3  }
0x33: {  	p0 =	seq.s32 s10, $0x1;
	s10 =	sld [smem:$0x3FB7];
	_ =	sdelay $0x3  }
0x34: {  	[smem:$0x3FB7] =	sst s10  }
0x35: {  	s10 =	sld [smem:$0x3FB6];
	_ =	sdelay $0x3  }
0x36: {  	p1 =	seq.s32 s10, $0x1;
	s10 =	sld [smem:$0x3FB7];
	_ =	sdelay $0x3  }
0x37: {  	[smem:$0x3FB7] =	sst s10  }
0x38: {  	s10 =	sld [smem:$0x3FB8]  }
0x39: {  	_ = 	snop;
	(pc) =	sbr.ind lr, $3  }
0x3a: {  	_ = 	snop  }
0x3b: {  	_ = 	snop  }
0x3c: {  	p2 =	seq.s32 s10, $0x1;
	s10 =	sld [smem:$0x3FB7]  }
0x3d: {  	_ =	shalt  }
0x3e: {  	_ =	shalt  }
0x3f: {  	_ =	shalt  }
0x40: {  	_ =	shalt  }
0x41: {  	_ =	shalt  }
0x42: {  	_ =	shalt  }
0x43: {  	_ =	shalt  }
0x44: {  	_ =	shalt  }
0x45: {  	_ =	shalt  }
0x46: {  	_ =	shalt  }
0x47: {  	_ =	shalt  }
0x48: {  	_ =	shalt  }
0x49: {  	_ =	shalt  }
0x4a: {  	_ =	shalt  }
0x4b: {  	_ =	shalt  }
0x4c: {  	_ =	shalt  }
0x4d: {  	_ =	shalt  }
0x4e: {  	_ =	shalt  }
0x4f: {  	_ =	shalt  }
0x50: {  	_ =	shalt  }
0x51: {  	_ =	shalt  }
0x52: {  	_ =	shalt  }
0x53: {  	_ =	shalt  }
0x54: {  	_ =	shalt  }
0x55: {  	_ =	shalt  }
0x56: {  	_ =	shalt  }
0x57: {  	_ =	shalt  }
0x58: {  	_ =	shalt  }
0x59: {  	_ =	shalt  }
0x5a: {  	_ =	shalt  }
0x5b: {  	_ =	shalt  }
0x5c: {  	_ =	shalt  }
0x5d: {  	_ =	shalt  }
0x5e: {  	_ =	shalt  }
0x5f: {  	_ =	shalt  }
0x60: {  	_ =	shalt  }
0x61: {  	_ =	shalt  }
0x62: {  	_ =	shalt  }
0x63: {  	_ =	shalt  }
0x64: {  	_ =	shalt  }
0x65: {  	_ =	shalt  }
0x66: {  	_ =	shalt  }
0x67: {  	_ =	shalt  }
0x68: {  	_ =	shalt  }
0x69: {  	_ =	shalt  }
0x6a: {  	_ =	shalt  }
0x6b: {  	_ =	shalt  }
0x6c: {  	_ =	shalt  }
0x6d: {  	_ =	shalt  }
0x6e: {  	_ =	shalt  }
0x6f: {  	_ =	shalt  }
0x70: {  	_ =	shalt  }
0x71: {  	_ =	shalt  }
0x72: {  	_ =	shalt  }
0x73: {  	_ =	shalt  }
0x74: {  	_ =	shalt  }
0x75: {  	_ =	shalt  }
0x76: {  	_ =	shalt  }
0x77: {  	_ =	shalt  }
0x78: {  	_ =	shalt  }
0x79: {  	_ =	shalt  }
0x7a: {  	_ =	shalt  }
0x7b: {  	_ =	shalt  }
0x7c: {  	_ =	shalt  }
0x7d: {  	_ =	shalt  }
0x7e: {  	_ =	shalt  }
0x7f: {  	_ =	shalt  }
0x80: {  	_ =	shalt  }
0x81: {  	_ =	shalt  }
0x82: {  	_ =	shalt  }
0x83: {  	_ =	shalt  }
0x84: {  	_ =	shalt  }
0x85: {  	_ =	shalt  }
0x86: {  	_ =	shalt  }
0x87: {  	_ =	shalt  }
.Lfunc_end0:
.L_simem_size_0:
called_computation_lowered:
.L_overlay_start_0:
0x88: {  	s2 =	sld [smem:$0x3FD9]  }
0x89: {  	s3 =	sld [smem:$0x3FFE];
	_ =	sdelay $0x1  }
0x8a: {  	s1 =	srdreg.scid  }
0x8b: {  	s0 =	sand.u32 $0x1, s1  }
0x8c: {  	s17 =	sshll.u32 s0, $0xA;
	s2 =	sadd.s32 s3, s2  }
0x8d: {  	s2 =	sadd.s32 s2, s17  }
0x8e: {  	[smem:$0x3FC3] =	sst s2  }
0x8f: {  	_ = 	snop  }
0x90: {  	s2 =	sld [smem:$0x3FC9]  }
0x91: {  	s18 =	sld [smem:$0x3FC8]  }
0x92: {  	s4 =	sld [smem:$0x3FC7]  }
0x93: {  	s5 =	sld [smem:$0x3FC6]  }
0x94: {  	s6 =	sld [smem:$0x3FC5];
	(tm) =	ssettm $0x1  }
0x95: {  	s7 =	sld [smem:$0x3FFB];
	_ =	sdelay $0x3  }
0x96: {  	_ =	strace s7  }
0x97: {  	s7 =	sld [smem:$0x3FFC];
	_ =	sdelay $0x3  }
0x98: {  	_ =	strace s7  }
0x99: {  	s7 =	sld [smem:$0x3FFD];
	_ =	sdelay $0x3  }
0x9a: {  	_ =	strace s7  }
0x9b: {  	_ =	strace $0x8FFFFFFF  }
0x9c: {  	s19 =	sld [smem:$0x3FDB];
	_ =	sdelay $0x1  }
0x9d: {  	s8 =	simm.s32 $_scs_section_size  }
0x9e: {  	s9 =	simm.s32 $_size__tile_overlayer_lowered;
	s10 =	simm.s32 $_tile_overlayer_lowered  }
0x9f: {  	s22 =	simm.s32 $0x1BFF;
	s21 =	sshll.u32 s10, $0x1;
	s7 =	sadd.s32 s8, s19  }
0xa0: {  	s11 =	simm.s32 $0x0;
	s20 =	sshll.u32 s9, $0x1;
	s9 =	sadd.s32 s21, s7  }
0xa1: {  	[timem:s11], [sflag:s22] =	dma.local [hbm:s9], s20  }
0xa2: {  	_ =	swait.ge [sflag:s22], s20  }
0xa3: {  	s8 =	ssub.s32 $0x0, s20;
	[sflag:s22] =	ssyncset.done $0x0  }
0xa4: {  	[sflag:s22] =	ssyncadd.s32 s8;
	_ =	sdelay $0x1  }
0xa5: {  	s23 =	simm.s32 $0x1B8B  }
0xa6: {  	_ =	swait.ge [sflag:s23], $0x1  }
0xa7: {  	[sflag:s23] =	ssyncset.done $0x0  }
0xa8: {  	s25 =	simm.s32 $0x1B8E;
	s24 =	sld [smem:$0x3FFE];
	[sflag:s23] =	ssyncadd.s32 $0xFFFFFFFF  }
0xa9: {  	s26 =	simm.s32 $execute0_lowered;
	[smem:$0x3FD2] =	sst s25  }
0xaa: {  	s9 =	sshll.u32 s26, $0x1;
	_ =	strace $0x80000046;
	[dreg:$0x1] =	wrdreg $0xFFFFFFFF  }
0xab: {  	s28 =	simm.s32 $_size_execute0_lowered;
	s7 =	sadd.s32 s7, s9;
	[dreg:$0x0] =	wrdreg $0x0  }
0xac: {  	s9 =	sshll.u32 s28, $0x1;
	[dreg:$0x2] =	wrdreg s7  }
0xad: {  	[dreg:$0x3] =	wrdreg s9  }
0xae: {  	[dreg:$0x4] =	wrdreg $0xC0  }
0xaf: {  	_ =	task [dreg:s11], $0x5FFFF  }
0xb0: {  	[dreg:$0x1] =	wrdreg $0xFFFFFFFF  }
0xb1: {  	[dreg:$0x0] =	wrdreg $0x60  }
0xb2: {  	[dreg:$0x2] =	wrdreg s2  }
0xb3: {  	[dreg:$0x3] =	wrdreg s18  }
0xb4: {  	[dreg:$0x4] =	wrdreg s4  }
0xb5: {  	[dreg:$0x5] =	wrdreg s5  }
0xb6: {  	[dreg:$0x6] =	wrdreg s6  }
0xb7: {  	[dreg:$0x7] =	wrdreg s24  }
0xb8: {  	[dreg:$0x8] =	wrdreg $0x9  }
0xb9: {  	_ =	task.clear_ibuf [dreg:s11], $0x9FFFF;
	_ =	strace $0x90000046  }
0xba: {  	s29 =	simm.s32 $0x9;
	_ =	strace $0x80000048  }
0xbb: {  	_ =	swait.ge [sflag:s29], $0x1  }
0xbc: {  	[sflag:s29] =	ssyncadd.s32 $0xFFFFFFFF  }
0xbd: {  	_ =	strace $0x90000048  }
0xbe: {  	_ =	sfence  }
0xbf: {  	s30 =	sld [smem:$0x0];
	_ =	sdelay $0x2  }
0xc0: {  	s31 =	sshll.u32 s1, $0xD;
	s1 =	sshrl.u32 s1, $0x2  }
0xc1: {  	s3 =	sand.u32 $0x4000, s31;
	s1 =	sadd.s32 s1, s30  }
0xc2: {  	s0 =	sor.u32 s3, s0;
	s1 =	sshll.u32 s1, $0x11  }
0xc3: {  	s0 =	sor.u32 s1, s0  }
0xc4: {  	s0 =	sadd.s32 $0x8F2B, s0  }
0xc5: {  	[sflag:s0] =	ssyncadd.remote.s32 $0x1  }
0xc6: {  	_ =	sfence.sel $0xFFFF  }
0xc7: {  	[dreg:$0x0] =	wrdreg $0xFFFFFFFF;
	(pc) =	sbr.abs _section_cstart, $3  }
0xc8: {  	[dreg:$0x1] =	wrdreg $0xFFFFFFFF  }
0xc9: {  	_ =	task.clear_ibuf [dreg:s11], $0x2FFFF;
	_ =	strace $0x9FFFFFFF  }
0xca: {  	(tm) =	ssettm $0x7FFFFFFF  }
0xcb: {  	_ =	shalt  }
tec
execute0_lowered:
.L_overlay_start_1:
0x0: {  	(tag) =	ssettag $0x1  }
0x1: {  	s0 =	rddreg [dreg:$0x0]  }
0x2: {  	s1 =	rddreg [dreg:$0x1]  }
0x3: {  	s3 =	rddreg [dreg:$0x2]  }
0x4: {  	s4 =	rddreg [dreg:$0x3]  }
0x5: {  	s6 =	rddreg [dreg:$0x4];
	s2 =	srdreg.scid  }
0x6: {  	s7 =	stileid.u32;
	s5 =	rddreg [dreg:$0x5]  }
0x7: {  	s19 =	simm.s32 $0x1;
	s20 =	simm.s32 $0x80;
	s21 =	simm.s32 $0x400  }
0x8: {  	s28 =	simm.s32 $0x3;
	s29 =	simm.s32 $0x4400;
	s30 =	simm.s32 $0x380  }
0x9: {  	s31 =	simm.s32 $0xC400;
	s2 =	sand.u32 $0x1, s2;
	s8 =	sshll.u32 s7, $0x1  }
0xa: {  	s17 =	simm.s32 $0x4;
	s18 =	simm.s32 $0x0;
	s8 =	sor.u32 s2, s8  }
0xb: {  	s7 =	simm.s32 $0x0;
	s9 =	sadd.s32 $0x400, s5;
	s8 =	smul.u32 $0x6400, s8  }
0xc: {  	s5 =	simm.s32 $0x10400;
	[smem:$0x7FF] =	sst s7;
	s2 =	ssub.s32 $0x2, s2  }
0xd: {  	_ =	strace $0x80000047;
	s22 =	sshrl.u32 s2, $0x1;
	s10 =	sshrl.u32 s8, $0x3  }
0xe: {  	s2 =	ssub.s32 s2, s22;
	s22 =	simm.s32 $0x300;
	s23 =	sadd.s32 s0, s10  }
0xf: {  	s16 =	smax.u32 s2, $0x1;
	s11 =	sadd.s32 s1, s10;
	[dreg:$0x7] =	wrdreg s23  }
0x10: {  	s24 =	sor.u32 $0x10, s10;
	s10 =	sadd.s32 s3, s10;
	[dreg:$0x8] =	wrdreg s11  }
0x11: {  	s2 =	simm.s32 $0x14400;
	[dreg:$0x9] =	wrdreg s10;
	s25 =	sadd.s32 s0, s24  }
0x12: {  	s26 =	sadd.s32 s1, s24;
	s15 =	sadd.s32 s3, s24;
	[dreg:$0xa] =	wrdreg s25  }
0x13: {  	v0 =	vimm.s32 $0x0;
	s23 =	simm.s32 $0x8400;
	[dreg:$0xb] =	wrdreg s26;
	s26 =	simm.s32 $0x2  }
.LBB2_1:
0x14: {  	s10 =	rddreg [dreg:$0x7]  }
0x15: {  	[tilespmem:s7], [sflag:$0x1] =	stream.linear.gather [hbm4b:s10+s7], $0x80, $0x38;
	[tilespmem:$0x18400] =	vst v63  }
0x16: {  	s14 =	rddreg [dreg:$0x8];
	s11 =	simm.s32 $0x100  }
0x17: {  	[tilespmem:s11], [sflag:$0x1] =	stream.linear.gather [hbm4b:s14+s7], $0x80, $0x38;
	[tilespmem:$0x18400] =	vst v63  }
0x18: {  	s24 =	rddreg [dreg:$0x9];
	s25 =	simm.s32 $0x200  }
0x19: {  	[tilespmem:s25], [sflag:$0x1] =	stream.linear.gather [hbm4b:s24+s7], $0x80, $0x38;
	[tilespmem:$0x18400] =	vst v63  }
0x1a: {  	_ =	swait.ge [sflag:s19], $0x80  }
0x1b: {  	[sflag:s19] =	ssyncset.done $0x0  }
0x1c: {  	[sflag:s19] =	ssyncadd.s32 $0xFFFFFF80  }
0x1d: {  	_ =	swait.ge [sflag:s19], $0x80  }
0x1e: {  	[sflag:s19] =	ssyncset.done $0x0  }
0x1f: {  	[sflag:s19] =	ssyncadd.s32 $0xFFFFFF80  }
0x20: {  	_ =	swait.ge [sflag:s19], $0x80  }
0x21: {  	[sflag:s19] =	ssyncset.done $0x0  }
0x22: {  	p0 =	por $0x1, $0x1;
	s10 =	simm.s32 $0x0;
	[sflag:s19] =	ssyncadd.s32 $0xFFFFFF80  }
.LBB2_2:
0x23: {  	v1 =	vld [tilespmem:s10+$0x0]  }
0x24: {  	v2 =	vld [tilespmem:s10+$0x100]  }
0x25: {  	v3 =	vld [tilespmem:s10+$0x200]  }
0x26: {  	v5 =	vld [tilespmem:s10+$0x110]  }
0x27: {  	v8 =	vld [tilespmem:s10+$0x120]  }
0x28: {  	s11 =	sor.u32 $0x10, s10;
	v10 =	vld [tilespmem:s10+$0x130]  }
0x29: {  	s24 =	sor.u32 $0x20, s10;
	v4 =	vld [tilespmem:s11+$0x0]  }
0x2a: {  	v7 =	vld [tilespmem:s24+$0x0]  }
0x2b: {  	v6 =	vld [tilespmem:s10+$0x210]  }
0x2c: {  	v9 =	vld [tilespmem:s10+$0x220];
	s25 =	sor.u32 $0x30, s10  }
0x2d: {  	vm0 =	veq.s32 v1, $0x0;
	v1 =	vld [tilespmem:s25+$0x0]  }
0x2e: {  	v11 =	vld [tilespmem:s10+$0x230];
	v2 =	vmul.u32 $0x3E, v2;
	v5 =	vmul.u32 $0x3E, v5;
	v61 =	vmul.u32 $0x3E, v8  }
0x2f: {  	v62 =	vmul.u32 $0x3E, v10;
	vm13 =	veq.s32 v4, $0x0;
	vm14 =	veq.s32 v7, $0x0  }
0x30: {  	p1 =	por p0, p0;
	v2 =	vadd.s32 v3, v2;
	v3 =	vsel vm0, $0xF04, v0;
	v4 =	vsel vm13, $0xF04, v0  }
.Ltmp0:
0x31: {  	v63 =	vsel vm14, $0xF04, v0;
	v2 =	vadd.s32 v3, v2;
	v3 =	vadd.s32 v6, v5;
	(pc) =	sbr.rel @p1 .LBB2_2-.Ltmp0, $4  }
0x32: {  	v3 =	vadd.s32 v4, v3;
	[tilespmem:s10+$0x300] =	vst v2;
	v2 =	vadd.s32 v9, v61;
	vm15 =	veq.s32 v1, $0x0  }
0x33: {  	[tilespmem:s10+$0x310] =	vst v3;
	v1 =	vadd.s32 v63, v2;
	v2 =	vadd.s32 v11, v62;
	v3 =	vsel vm15, $0xF04, v0  }
0x34: {  	[tilespmem:s10+$0x320] =	vst v1;
	v1 =	vadd.s32 v3, v2  }
0x35: {  	p0 =	por $0x0, $0x0;
	[tilespmem:s10+$0x330] =	vst v1;
	s10 =	simm.s32 $0x40  }
0x36: {  	s24 =	simm.s32 $0x0  }
0x37: {  	[tilespmem:s21], [sflag:$0x2] =	stream.indirect.gather [hbm4b:s4+s20], $0x80, s24, s20, $0xb8;
	[tilespmem:$0x18400] =	vst v63  }
0x38: {  	_ = 	snop  }
0x39: {  	[tilespmem:s23], [sflag:$0x3] =	stream.indirect.gather [hbm4b:s6+s20], $0x80, s22, s20, $0xb8;
	[tilespmem:$0x18400] =	vst v63  }
0x3a: {  	s10 =	rddreg [dreg:$0xa]  }
0x3b: {  	[tilespmem:s20], [sflag:$0x1] =	stream.linear.gather [hbm4b:s10+s24], $0x80, $0x38;
	[tilespmem:$0x18400] =	vst v63  }
0x3c: {  	s14 =	rddreg [dreg:$0xb];
	s11 =	simm.s32 $0x180  }
0x3d: {  	[tilespmem:s11], [sflag:$0x1] =	stream.linear.gather [hbm4b:s14+s24], $0x80, $0x38;
	[tilespmem:$0x18400] =	vst v63  }
0x3e: {  	s25 =	simm.s32 $0x280  }
0x3f: {  	[tilespmem:s25], [sflag:$0x1] =	stream.linear.gather [hbm4b:s15+s24], $0x80, $0x38;
	[tilespmem:$0x18400] =	vst v63  }
.LBB2_4:
0x40: {  	_ =	swait.ge [sflag:s26], $0x4000  }
0x41: {  	[sflag:s26] =	ssyncset.done $0x0  }
0x42: {  	[sflag:s26] =	ssyncadd.s32 $0xFFFFC000  }
0x43: {  	_ =	swait.ge [sflag:s28], $0x4000  }
0x44: {  	[sflag:s28] =	ssyncset.done $0x0  }
0x45: {  	[sflag:s28] =	ssyncadd.s32 $0xFFFFC000  }
0x46: {  	_ =	swait.ge [sflag:s19], $0x80  }
0x47: {  	[sflag:s19] =	ssyncset.done $0x0  }
0x48: {  	[sflag:s19] =	ssyncadd.s32 $0xFFFFFF80  }
0x49: {  	_ =	swait.ge [sflag:s19], $0x80  }
0x4a: {  	[sflag:s19] =	ssyncset.done $0x0  }
0x4b: {  	[sflag:s19] =	ssyncadd.s32 $0xFFFFFF80  }
0x4c: {  	_ =	swait.ge [sflag:s19], $0x80  }
0x4d: {  	[sflag:s19] =	ssyncset.done $0x0  }
0x4e: {  	p0 =	por $0x1, $0x1;
	s10 =	simm.s32 $0x0;
	[sflag:s19] =	ssyncadd.s32 $0xFFFFFF80  }
.LBB2_5:
0x4f: {  	v2 =	vld [tilespmem:s10+$0x180]  }
0x50: {  	v3 =	vld [tilespmem:s10+$0x280]  }
0x51: {  	v5 =	vld [tilespmem:s10+$0x190]  }
0x52: {  	v8 =	vld [tilespmem:s10+$0x1A0]  }
0x53: {  	s11 =	sor.u32 $0x80, s10;
	v10 =	vld [tilespmem:s10+$0x1B0]  }
0x54: {  	s13 =	sor.u32 $0x90, s10;
	v1 =	vld [tilespmem:s11+$0x0]  }
0x55: {  	s14 =	sor.u32 $0xA0, s10;
	v4 =	vld [tilespmem:s13+$0x0]  }
0x56: {  	v7 =	vld [tilespmem:s14+$0x0]  }
0x57: {  	v6 =	vld [tilespmem:s10+$0x290]  }
0x58: {  	v9 =	vld [tilespmem:s10+$0x2A0];
	s25 =	sor.u32 $0xB0, s10  }
0x59: {  	vm0 =	veq.s32 v1, $0x0;
	v1 =	vld [tilespmem:s25+$0x0]  }
0x5a: {  	v11 =	vld [tilespmem:s10+$0x2B0];
	v2 =	vmul.u32 $0x3E, v2;
	v5 =	vmul.u32 $0x3E, v5;
	v61 =	vmul.u32 $0x3E, v8  }
0x5b: {  	v62 =	vmul.u32 $0x3E, v10;
	vm13 =	veq.s32 v4, $0x0;
	vm14 =	veq.s32 v7, $0x0  }
0x5c: {  	p1 =	por p0, p0;
	v2 =	vadd.s32 v3, v2;
	v3 =	vsel vm0, $0xF04, v0;
	v4 =	vsel vm13, $0xF04, v0  }
.Ltmp1:
0x5d: {  	v63 =	vsel vm14, $0xF04, v0;
	v2 =	vadd.s32 v3, v2;
	v3 =	vadd.s32 v6, v5;
	(pc) =	sbr.rel @p1 .LBB2_5-.Ltmp1, $4  }
0x5e: {  	v3 =	vadd.s32 v4, v3;
	[tilespmem:s10+$0x380] =	vst v2;
	v2 =	vadd.s32 v9, v61;
	vm15 =	veq.s32 v1, $0x0  }
0x5f: {  	[tilespmem:s10+$0x390] =	vst v3;
	v1 =	vadd.s32 v63, v2;
	v2 =	vadd.s32 v11, v62;
	v3 =	vsel vm15, $0xF04, v0  }
0x60: {  	[tilespmem:s10+$0x3A0] =	vst v1;
	v1 =	vadd.s32 v3, v2  }
0x61: {  	p0 =	por $0x0, $0x0;
	[tilespmem:s10+$0x3B0] =	vst v1;
	s10 =	simm.s32 $0x40  }
0x62: {  	[tilespmem:s29], [sflag:$0x2] =	stream.indirect.gather [hbm4b:s4+s20], $0x80, s20, s20, $0xb8;
	[tilespmem:$0x18400] =	vst v63  }
0x63: {  	s10 =	sshll.u32 s24, $0x8  }
0x64: {  	p0 =	seq.s32 s24, $0x63;
	s25 =	sadd.s32 s8, s10  }
0x65: {  	[tilespmem:s31], [sflag:$0x3] =	stream.indirect.gather [hbm4b:s6+s20], $0x80, s30, s20, $0xb8;
	[tilespmem:$0x18400] =	vst v63  }
0x66: {  	s10 =	sshrl.u32 @!p0 s25, $0x3  }
0x67: {  	s10 =	sadd.s32 @!p0 $0x20, s10  }
0x68: {  	s12 =	simm.s32 @!p0 $0x0;
	s11 =	sadd.s32 @!p0 s0, s10  }
0x69: {  	[tilespmem:s12], [sflag:$0x1] =	stream.linear.gather @!p0 [hbm4b:s11+s12], $0x80, $0x38;
	[tilespmem:$0x18400] =	vst v63  }
0x6a: {  	s13 =	simm.s32 @!p0 $0x100;
	p1 =	seq.s32 @!p0 s24, $0x0;
	s11 =	sadd.s32 @!p0 s1, s10  }
0x6b: {  	[tilespmem:s13], [sflag:$0x1] =	stream.linear.gather @!p0 [hbm4b:s11+s12], $0x80, $0x38;
	[tilespmem:$0x18400] =	vst v63  }
0x6c: {  	p1 =	por p0, !p1;
	s10 =	sadd.s32 @!p0 s3, s10;
	s11 =	simm.s32 @!p0 $0x200  }
0x6d: {  	[tilespmem:s11], [sflag:$0x1] =	stream.linear.gather @!p0 [hbm4b:s10+s12], $0x80, $0x38;
	[tilespmem:$0x18400] =	vst v63  }
0x6e: {  	_ =	swait.ge @p1 [sflag:s17], $0x4000  }
0x6f: {  	[sflag:s17] =	ssyncset.done @p1 $0x0  }
0x70: {  	s14 =	simm.s32 $0x600;
	[sflag:s17] =	ssyncadd.s32 @p1 $0xFFFFC000  }
0x71: {  	s10 =	simm.s32 $0x8600;
	v1 =	vld [tilespmem:s14+$0x180]  }
0x72: {  	v2 =	vld [tilespmem:s10+$0x180]  }
0x73: {  	v3 =	vld [tilespmem:s10+$0xFFFFFE00]  }
0x74: {  	v4 =	vld [tilespmem:s14+$0xFFFFFE80]  }
0x75: {  	v5 =	vld [tilespmem:s10+$0xFFFFFE80]  }
0x76: {  	v6 =	vld [tilespmem:s14+$0xFFFFFF00]  }
0x77: {  	v7 =	vld [tilespmem:s10+$0xFFFFFF00]  }
0x78: {  	v8 =	vld [tilespmem:s10+$0xFFFFFF80]  }
0x79: {  	v10 =	vld [tilespmem:s14+$0x0]  }
0x7a: {  	v11 =	vld [tilespmem:s10+$0x0]  }
0x7b: {  	v12 =	vld [tilespmem:s14+$0x80]  }
0x7c: {  	v13 =	vld [tilespmem:s10+$0x80]  }
0x7d: {  	v14 =	vld [tilespmem:s14+$0x100];
	v1 =	vadd.f32 v2, v1  }
0x7e: {  	s11 =	simm.s32 $0x10600;
	v2 =	vld [tilespmem:s14+$0xFFFFFF80]  }
0x7f: {  	v4 =	vadd.f32 v5, v4;
	v5 =	vld [tilespmem:s14+$0xFFFFFE00];
	[tilespmem:s11+$0x180] =	vst v1  }
0x80: {  	v1 =	vld [tilespmem:s14+$0x190]  }
0x81: {  	v9 =	vld [tilespmem:s10+$0x190]  }
0x82: {  	v48 =	vld [tilespmem:s10+$0x100];
	[tilespmem:s11+$0xFFFFFE80] =	vst v4;
	v4 =	vadd.f32 v7, v6  }
0x83: {  	v7 =	vld [tilespmem:s14+$0xFFFFFE90]  }
0x84: {  	[tilespmem:s11+$0xFFFFFF00] =	vst v4;
	v4 =	vld [tilespmem:s10+$0xFFFFFE90];
	v2 =	vadd.f32 v8, v2  }
0x85: {  	v3 =	vadd.f32 v3, v5;
	v5 =	vld [tilespmem:s14+$0xFFFFFF10]  }
0x86: {  	[tilespmem:s11+$0xFFFFFF80] =	vst v2;
	v2 =	vld [tilespmem:s10+$0xFFFFFF10];
	v1 =	vadd.f32 v9, v1  }
0x87: {  	[tilespmem:s11+$0xFFFFFE00] =	vst v3;
	v3 =	vld [tilespmem:s14+$0xFFFFFF90]  }
0x88: {  	v51 =	vld [tilespmem:s10+$0xFFFFFF90];
	[tilespmem:s11+$0x190] =	vst v1  }
0x89: {  	v4 =	vadd.f32 v4, v7;
	v1 =	vld [tilespmem:s14+$0x1A0]  }
0x8a: {  	v6 =	vld [tilespmem:s10+$0x1A0]  }
0x8b: {  	v8 =	vld [tilespmem:s10+$0xFFFFFE10];
	[tilespmem:s11+$0xFFFFFE90] =	vst v4;
	v2 =	vadd.f32 v2, v5  }
0x8c: {  	v5 =	vld [tilespmem:s14+$0xFFFFFEA0]  }
0x8d: {  	[tilespmem:s11+$0xFFFFFF10] =	vst v2;
	v2 =	vadd.f32 v51, v3;
	v3 =	vld [tilespmem:s10+$0xFFFFFEA0]  }
0x8e: {  	v55 =	vld [tilespmem:s14+$0xFFFFFF20]  }
0x8f: {  	v56 =	vld [tilespmem:s10+$0xFFFFFF20];
	v1 =	vadd.f32 v6, v1  }
0x90: {  	v6 =	vld [tilespmem:s14+$0xFFFFFE10];
	[tilespmem:s11+$0xFFFFFF90] =	vst v2  }
0x91: {  	v57 =	vld [tilespmem:s14+$0xFFFFFFA0];
	[tilespmem:s11+$0x1A0] =	vst v1;
	v1 =	vadd.f32 v11, v10  }
0x92: {  	v49 =	vld [tilespmem:s14+$0x1AC]  }
0x93: {  	v50 =	vld [tilespmem:s10+$0x1AC];
	v3 =	vadd.f32 v3, v5;
	[tilespmem:s11+$0x0] =	vst v1  }
0x94: {  	v1 =	vadd.f32 v13, v12;
	v52 =	vld [tilespmem:s14+$0x10]  }
0x95: {  	v53 =	vld [tilespmem:s10+$0x10];
	[tilespmem:s11+$0xFFFFFEA0] =	vst v3;
	v3 =	vadd.f32 v56, v55  }
0x96: {  	[tilespmem:s11+$0x80] =	vst v1;
	v1 =	vadd.f32 v48, v14;
	v60 =	vld [tilespmem:s14+$0xFFFFFEAC]  }
0x97: {  	v54 =	vld [tilespmem:s14+$0x90];
	[tilespmem:s11+$0xFFFFFF20] =	vst v3  }
0x98: {  	[tilespmem:s11+$0x100] =	vst v1;
	v1 =	vadd.f32 v8, v6;
	v6 =	vld [tilespmem:s10+$0x90]  }
0x99: {  	v61 =	vld [tilespmem:s14+$0xFFFFFF2C]  }
0x9a: {  	v62 =	vld [tilespmem:s10+$0xFFFFFF2C]  }
0x9b: {  	v8 =	vld [tilespmem:s14+$0x110]  }
0x9c: {  	[tilespmem:s11+$0xFFFFFE10] =	vst v1;
	v1 =	vld [tilespmem:s10+$0x110]  }
0x9d: {  	v2 =	vadd.f32 v53, v52;
	v7 =	vld [tilespmem:s14+$0xFFFFFE20]  }
0x9e: {  	v4 =	vld [tilespmem:s10+$0xFFFFFE20]  }
0x9f: {  	[tilespmem:s11+$0x10] =	vst v2;
	v2 =	vadd.f32 v6, v54;
	v6 =	vld [tilespmem:s10+$0xFFFFFFA0]  }
0xa0: {  	v58 =	vld [tilespmem:s14+$0x20]  }
0xa1: {  	[tilespmem:s11+$0x90] =	vst v2;
	v1 =	vadd.f32 v1, v8;
	v2 =	vld [tilespmem:s10+$0x20]  }
0xa2: {  	v8 =	vld [tilespmem:s14+$0xA0]  }
0xa3: {  	v4 =	vadd.f32 v4, v7;
	[tilespmem:s11+$0x110] =	vst v1;
	v1 =	vld [tilespmem:s10+$0xA0]  }
0xa4: {  	v7 =	vld [tilespmem:s14+$0x120]  }
0xa5: {  	[tilespmem:s11+$0xFFFFFE20] =	vst v4;
	v4 =	vld [tilespmem:s10+$0x120]  }
0xa6: {  	v3 =	vadd.f32 v6, v57;
	v5 =	vld [tilespmem:s14+$0xFFFFFE2C]  }
0xa7: {  	v59 =	vld [tilespmem:s10+$0xFFFFFE2C]  }
0xa8: {  	v6 =	vld [tilespmem:s10+$0xFFFFFEAC];
	[tilespmem:s11+$0xFFFFFFA0] =	vst v3;
	v2 =	vadd.f32 v2, v58  }
0xa9: {  	v3 =	vadd.f32 v50, v49;
	v63 =	vld [tilespmem:s14+$0xFFFFFFAC]  }
0xaa: {  	[tilespmem:s11+$0x20] =	vst v2;
	v2 =	vadd.f32 v1, v8;
	v8 =	vld [tilespmem:s10+$0xFFFFFFAC]  }
0xab: {  	[tilespmem:s11+$0x1AC] =	vst v3;
	v4 =	vadd.f32 v4, v7;
	v1 =	vld [tilespmem:s14+$0x2C]  }
0xac: {  	v3 =	vld [tilespmem:s10+$0x2C];
	[tilespmem:s11+$0xA0] =	vst v2;
	v5 =	vadd.f32 v59, v5  }
0xad: {  	[tilespmem:s11+$0x120] =	vst v4;
	v4 =	vadd.f32 v6, v60;
	v2 =	vld [tilespmem:s14+$0xAC]  }
0xae: {  	v6 =	vadd.f32 v62, v61;
	[tilespmem:s11+$0xFFFFFE2C] =	vst v5;
	v5 =	vld [tilespmem:s10+$0xAC]  }
0xaf: {  	[tilespmem:s11+$0xFFFFFEAC] =	vst v4;
	v4 =	vld [tilespmem:s14+$0x12C];
	v7 =	vadd.f32 v8, v63  }
0xb0: {  	s13 =	simm.s32 $0x0;
	s12 =	sshll.u32 s24, $0x1;
	[tilespmem:s11+$0xFFFFFF2C] =	vst v6;
	v6 =	vld [tilespmem:s10+$0x12C];
	s14 =	simm.s32 $0xA00  }
.LBB2_7:
0xb1: {  	v8 =	vld [tilespmem:s14+$0x180];
	[tilespmem:s11+$0xFFFFFFAC] =	vst v7;
	v1 =	vadd.f32 v3, v1;
	s10 =	sadd.s32 $0x400, s10  }
0xb2: {  	v3 =	vld [tilespmem:s10+$0x180]  }
0xb3: {  	v7 =	vld [tilespmem:s10+$0xFFFFFE00];
	[tilespmem:s11+$0x2C] =	vst v1;
	v1 =	vadd.f32 v5, v2  }
0xb4: {  	v2 =	vld [tilespmem:s14+$0xFFFFFE80]  }
0xb5: {  	s13 =	sadd.s32 $0x8, s13;
	v5 =	vld [tilespmem:s10+$0xFFFFFE80];
	[tilespmem:s11+$0xAC] =	vst v1;
	v1 =	vadd.f32 v6, v4  }
0xb6: {  	p2 =	slt.u32 s13, $0x78;
	v4 =	vld [tilespmem:s14+$0xFFFFFF00]  }
0xb7: {  	v6 =	vld [tilespmem:s10+$0xFFFFFF00];
	v3 =	vadd.f32 v3, v8;
	[tilespmem:s11+$0x12C] =	vst v1  }
0xb8: {  	s11 =	sadd.s32 $0x400, s11;
	v1 =	vld [tilespmem:s14+$0xFFFFFF80]  }
0xb9: {  	v8 =	vld [tilespmem:s10+$0xFFFFFF80];
	[tilespmem:s11+$0x180] =	vst v3  }
0xba: {  	v2 =	vadd.f32 v5, v2;
	v3 =	vld [tilespmem:s14+$0x190]  }
0xbb: {  	v5 =	vld [tilespmem:s10+$0x190]  }
0xbc: {  	[tilespmem:s11+$0xFFFFFE80] =	vst v2;
	v2 =	vadd.f32 v6, v4;
	v4 =	vld [tilespmem:s14+$0x0]  }
0xbd: {  	v6 =	vld [tilespmem:s10+$0x0]  }
0xbe: {  	[tilespmem:s11+$0xFFFFFF00] =	vst v2;
	v1 =	vadd.f32 v8, v1;
	v2 =	vld [tilespmem:s14+$0x80]  }
0xbf: {  	v8 =	vld [tilespmem:s10+$0x80]  }
0xc0: {  	[tilespmem:s11+$0xFFFFFF80] =	vst v1;
	v1 =	vld [tilespmem:s14+$0x100];
	v3 =	vadd.f32 v5, v3  }
0xc1: {  	v5 =	vld [tilespmem:s10+$0x100]  }
0xc2: {  	v9 =	vld [tilespmem:s14+$0xFFFFFE00];
	v4 =	vadd.f32 v6, v4;
	[tilespmem:s11+$0x190] =	vst v3  }
0xc3: {  	v3 =	vld [tilespmem:s14+$0x1A0]  }
0xc4: {  	[tilespmem:s11+$0x0] =	vst v4;
	v2 =	vadd.f32 v8, v2;
	v4 =	vld [tilespmem:s10+$0x1A0]  }
0xc5: {  	v6 =	vld [tilespmem:s14+$0xFFFFFE90]  }
0xc6: {  	v8 =	vld [tilespmem:s10+$0xFFFFFE90];
	[tilespmem:s11+$0x80] =	vst v2;
	v1 =	vadd.f32 v5, v1  }
0xc7: {  	v2 =	vadd.f32 v7, v9;
	v5 =	vld [tilespmem:s14+$0xFFFFFF10]  }
0xc8: {  	v7 =	vld [tilespmem:s10+$0xFFFFFF10];
	[tilespmem:s11+$0x100] =	vst v1  }
0xc9: {  	[tilespmem:s11+$0xFFFFFE00] =	vst v2;
	v1 =	vld [tilespmem:s14+$0xFFFFFF90];
	v2 =	vadd.f32 v4, v3  }
0xca: {  	v3 =	vld [tilespmem:s14+$0xFFFFFE10]  }
0xcb: {  	v4 =	vld [tilespmem:s10+$0xFFFFFE10];
	v6 =	vadd.f32 v8, v6;
	[tilespmem:s11+$0x1A0] =	vst v2  }
0xcc: {  	v2 =	vld [tilespmem:s14+$0x1AC]  }
0xcd: {  	[tilespmem:s11+$0xFFFFFE90] =	vst v6;
	v5 =	vadd.f32 v7, v5;
	v6 =	vld [tilespmem:s10+$0x1AC]  }
0xce: {  	v7 =	vld [tilespmem:s10+$0xFFFFFF90]  }
0xcf: {  	[tilespmem:s11+$0xFFFFFF10] =	vst v5;
	v5 =	vld [tilespmem:s14+$0x10]  }
0xd0: {  	v3 =	vadd.f32 v4, v3;
	v4 =	vld [tilespmem:s10+$0x10]  }
0xd1: {  	v8 =	vld [tilespmem:s14+$0x90]  }
0xd2: {  	[tilespmem:s11+$0xFFFFFE10] =	vst v3;
	v3 =	vld [tilespmem:s10+$0x90];
	v2 =	vadd.f32 v6, v2  }
0xd3: {  	v1 =	vadd.f32 v7, v1;
	v6 =	vld [tilespmem:s14+$0x110]  }
0xd4: {  	v7 =	vld [tilespmem:s10+$0x110];
	[tilespmem:s11+$0x1AC] =	vst v2  }
0xd5: {  	v2 =	vld [tilespmem:s14+$0xFFFFFE20];
	[tilespmem:s11+$0xFFFFFF90] =	vst v1;
	v1 =	vadd.f32 v4, v5  }
0xd6: {  	v4 =	vld [tilespmem:s10+$0xFFFFFE20]  }
0xd7: {  	v5 =	vld [tilespmem:s14+$0xFFFFFEA0];
	[tilespmem:s11+$0x10] =	vst v1;
	v1 =	vadd.f32 v3, v8  }
0xd8: {  	v3 =	vld [tilespmem:s10+$0xFFFFFEA0]  }
0xd9: {  	v8 =	vld [tilespmem:s14+$0xFFFFFF20];
	[tilespmem:s11+$0x90] =	vst v1;
	v1 =	vadd.f32 v7, v6  }
0xda: {  	v6 =	vld [tilespmem:s10+$0xFFFFFF20]  }
0xdb: {  	v2 =	vadd.f32 v4, v2;
	v4 =	vld [tilespmem:s14+$0xFFFFFFA0];
	[tilespmem:s11+$0x110] =	vst v1  }
0xdc: {  	v1 =	vld [tilespmem:s10+$0xFFFFFFA0]  }
0xdd: {  	[tilespmem:s11+$0xFFFFFE20] =	vst v2;
	v2 =	vadd.f32 v3, v5;
	v3 =	vld [tilespmem:s14+$0x20]  }
0xde: {  	v5 =	vld [tilespmem:s10+$0x20]  }
0xdf: {  	[tilespmem:s11+$0xFFFFFEA0] =	vst v2;
	v2 =	vadd.f32 v6, v8;
	v6 =	vld [tilespmem:s14+$0xA0]  }
0xe0: {  	v7 =	vld [tilespmem:s10+$0xA0]  }
0xe1: {  	[tilespmem:s11+$0xFFFFFF20] =	vst v2;
	v1 =	vadd.f32 v1, v4;
	v2 =	vld [tilespmem:s14+$0x120]  }
0xe2: {  	v4 =	vld [tilespmem:s10+$0x120]  }
0xe3: {  	v8 =	vld [tilespmem:s14+$0xFFFFFE2C];
	[tilespmem:s11+$0xFFFFFFA0] =	vst v1;
	v1 =	vadd.f32 v5, v3  }
0xe4: {  	v3 =	vld [tilespmem:s10+$0xFFFFFE2C]  }
0xe5: {  	v5 =	vld [tilespmem:s14+$0xFFFFFEAC];
	[tilespmem:s11+$0x20] =	vst v1;
	v1 =	vadd.f32 v7, v6  }
0xe6: {  	v6 =	vld [tilespmem:s10+$0xFFFFFEAC]  }
0xe7: {  	v7 =	vld [tilespmem:s14+$0xFFFFFF2C];
	[tilespmem:s11+$0xA0] =	vst v1;
	v1 =	vadd.f32 v4, v2  }
0xe8: {  	v2 =	vld [tilespmem:s10+$0xFFFFFF2C]  }
0xe9: {  	v3 =	vadd.f32 v3, v8;
	v4 =	vld [tilespmem:s14+$0xFFFFFFAC];
	[tilespmem:s11+$0x120] =	vst v1  }
0xea: {  	v8 =	vld [tilespmem:s10+$0xFFFFFFAC]  }
0xeb: {  	[tilespmem:s11+$0xFFFFFE2C] =	vst v3;
	v5 =	vadd.f32 v6, v5;
	v1 =	vld [tilespmem:s14+$0x2C]  }
.Ltmp2:
0xec: {  	v3 =	vld [tilespmem:s10+$0x2C];
	(pc) =	sbr.rel @p2 .LBB2_7-.Ltmp2, $4  }
0xed: {  	[tilespmem:s11+$0xFFFFFEAC] =	vst v5;
	v6 =	vadd.f32 v2, v7;
	v2 =	vld [tilespmem:s14+$0xAC]  }
0xee: {  	v5 =	vld [tilespmem:s10+$0xAC]  }
0xef: {  	[tilespmem:s11+$0xFFFFFF2C] =	vst v6;
	v7 =	vadd.f32 v8, v4;
	v4 =	vld [tilespmem:s14+$0x12C]  }
0xf0: {  	s14 =	sadd.s32 $0x400, s14;
	v6 =	vld [tilespmem:s10+$0x12C]  }
0xf1: {  	_ =	sdelay $0x1  }
0xf2: {  	v1 =	vadd.f32 v3, v1  }
0xf3: {  	[tilespmem:s11+$0xFFFFFFAC] =	vst v7;
	v2 =	vadd.f32 v5, v2  }
0xf4: {  	[tilespmem:s11+$0x2C] =	vst v1;
	v1 =	vadd.f32 v6, v4  }
0xf5: {  	s10 =	sshll.u32 s25, $0x4;
	[tilespmem:s11+$0xAC] =	vst v2  }
0xf6: {  	s10 =	sadd.s32 s9, s10;
	[tilespmem:s11+$0x12C] =	vst v1  }
0xf7: {  	[hbm4b:s10+s7] =	stream.linear.scatter [tilespmem:s5], [sflag:$0x4], $0x4000, $0x38;
	[tilespmem:$0x18400] =	vst v63  }
0xf8: {  	s10 =	sor.u32 $0x1, s12  }
0xf9: {  	_ =	swait.ge [sflag:s26], $0x4000;
	p2 =	sgt.u32 s10, $0xC6  }
.Ltmp3:
0xfa: {  	[sflag:s26] =	ssyncset.done $0x0;
	(pc) =	sbr.rel @p2 .LBB2_12-.Ltmp3, $4  }
0xfb: {  	[sflag:s26] =	ssyncadd.s32 $0xFFFFC000  }
0xfc: {  	_ =	swait.ge [sflag:s28], $0x4000  }
0xfd: {  	[sflag:s28] =	ssyncset.done $0x0  }
0xfe: {  	[sflag:s28] =	ssyncadd.s32 $0xFFFFC000  }
0xff: {  	_ =	swait.ge [sflag:s19], $0x80  }
0x100: {  	[sflag:s19] =	ssyncset.done $0x0  }
0x101: {  	[sflag:s19] =	ssyncadd.s32 $0xFFFFFF80  }
0x102: {  	_ =	swait.ge [sflag:s19], $0x80  }
0x103: {  	[sflag:s19] =	ssyncset.done $0x0  }
0x104: {  	[sflag:s19] =	ssyncadd.s32 $0xFFFFFF80  }
0x105: {  	_ =	swait.ge [sflag:s19], $0x80  }
0x106: {  	[sflag:s19] =	ssyncset.done $0x0  }
0x107: {  	s11 =	simm.s32 $0x0;
	p2 =	por $0x1, $0x1;
	[sflag:s19] =	ssyncadd.s32 $0xFFFFFF80  }
.LBB2_10:
0x108: {  	v1 =	vld [tilespmem:s11+$0x0]  }
0x109: {  	v2 =	vld [tilespmem:s11+$0x100]  }
0x10a: {  	v3 =	vld [tilespmem:s11+$0x200]  }
0x10b: {  	v5 =	vld [tilespmem:s11+$0x110]  }
0x10c: {  	v8 =	vld [tilespmem:s11+$0x120]  }
0x10d: {  	s12 =	sor.u32 $0x10, s11;
	v10 =	vld [tilespmem:s11+$0x130]  }
0x10e: {  	s14 =	sor.u32 $0x20, s11;
	v4 =	vld [tilespmem:s12+$0x0]  }
0x10f: {  	v7 =	vld [tilespmem:s14+$0x0]  }
0x110: {  	v6 =	vld [tilespmem:s11+$0x210]  }
0x111: {  	v9 =	vld [tilespmem:s11+$0x220];
	s25 =	sor.u32 $0x30, s11  }
0x112: {  	vm0 =	veq.s32 v1, $0x0;
	v1 =	vld [tilespmem:s25+$0x0]  }
0x113: {  	v11 =	vld [tilespmem:s11+$0x230];
	v2 =	vmul.u32 $0x3E, v2;
	v5 =	vmul.u32 $0x3E, v5;
	v61 =	vmul.u32 $0x3E, v8  }
0x114: {  	v62 =	vmul.u32 $0x3E, v10;
	vm13 =	veq.s32 v4, $0x0;
	vm14 =	veq.s32 v7, $0x0  }
0x115: {  	p3 =	por p2, p2;
	v2 =	vadd.s32 v3, v2;
	v3 =	vsel vm0, $0xF04, v0;
	v4 =	vsel vm13, $0xF04, v0  }
.Ltmp4:
0x116: {  	v63 =	vsel vm14, $0xF04, v0;
	v2 =	vadd.s32 v3, v2;
	v3 =	vadd.s32 v6, v5;
	(pc) =	sbr.rel @p3 .LBB2_10-.Ltmp4, $4  }
0x117: {  	v3 =	vadd.s32 v4, v3;
	[tilespmem:s11+$0x300] =	vst v2;
	v2 =	vadd.s32 v9, v61;
	vm15 =	veq.s32 v1, $0x0  }
0x118: {  	[tilespmem:s11+$0x310] =	vst v3;
	v1 =	vadd.s32 v63, v2;
	v2 =	vadd.s32 v11, v62;
	v3 =	vsel vm15, $0xF04, v0  }
0x119: {  	[tilespmem:s11+$0x320] =	vst v1;
	v1 =	vadd.s32 v3, v2  }
0x11a: {  	p2 =	por $0x0, $0x0;
	[tilespmem:s11+$0x330] =	vst v1;
	s11 =	simm.s32 $0x40  }
0x11b: {  	[tilespmem:s21], [sflag:$0x2] =	stream.indirect.gather [hbm4b:s4+s20], $0x80, s7, s20, $0xb8;
	[tilespmem:$0x18400] =	vst v63  }
0x11c: {  	_ = 	snop  }
0x11d: {  	[tilespmem:s23], [sflag:$0x3] =	stream.indirect.gather [hbm4b:s6+s20], $0x80, s22, s20, $0xb8;
	[tilespmem:$0x18400] =	vst v63  }
.LBB2_12:
0x11e: {  	s10 =	sshll.u32 s10, $0x7  }
0x11f: {  	s25 =	sadd.s32 s8, s10  }
0x120: {  	s10 =	sshrl.u32 @!p0 s25, $0x3  }
0x121: {  	s10 =	sadd.s32 @!p0 $0x20, s10  }
0x122: {  	s12 =	simm.s32 @!p0 $0x0;
	s13 =	simm.s32 @!p0 $0x80;
	s11 =	sadd.s32 @!p0 s0, s10  }
0x123: {  	[tilespmem:s13], [sflag:$0x1] =	stream.linear.gather @!p0 [hbm4b:s11+s12], $0x80, $0x38;
	[tilespmem:$0x18400] =	vst v63  }
0x124: {  	s11 =	sadd.s32 @!p0 s1, s10;
	s13 =	simm.s32 @!p0 $0x180  }
0x125: {  	[tilespmem:s13], [sflag:$0x1] =	stream.linear.gather @!p0 [hbm4b:s11+s12], $0x80, $0x38;
	[tilespmem:$0x18400] =	vst v63  }
0x126: {  	s10 =	sadd.s32 @!p0 s3, s10;
	s11 =	simm.s32 @!p0 $0x280  }
0x127: {  	[tilespmem:s11], [sflag:$0x1] =	stream.linear.gather @!p0 [hbm4b:s10+s12], $0x80, $0x38;
	[tilespmem:$0x18400] =	vst v63  }
0x128: {  	_ =	swait.ge @p1 [sflag:s17], $0x4000  }
0x129: {  	[sflag:s17] =	ssyncset.done @p1 $0x0  }
0x12a: {  	s10 =	simm.s32 $0x0;
	[sflag:s17] =	ssyncadd.s32 @p1 $0xFFFFC000  }
0x12b: {  	v1 =	vld [tilespmem:s10+$0x47A0]  }
0x12c: {  	v2 =	vld [tilespmem:s10+$0xC7A0]  }
0x12d: {  	v3 =	vld [tilespmem:s10+$0x47AC]  }
0x12e: {  	v4 =	vld [tilespmem:s10+$0xC7AC]  }
0x12f: {  	v5 =	vld [tilespmem:s10+$0x4400]  }
0x130: {  	v6 =	vld [tilespmem:s10+$0xC400]  }
0x131: {  	v7 =	vld [tilespmem:s10+$0x4410]  }
0x132: {  	v8 =	vld [tilespmem:s10+$0xC410]  }
0x133: {  	v9 =	vld [tilespmem:s10+$0x4420]  }
0x134: {  	v10 =	vld [tilespmem:s10+$0xC420]  }
0x135: {  	v11 =	vld [tilespmem:s10+$0x442C]  }
0x136: {  	v12 =	vld [tilespmem:s10+$0xC42C]  }
0x137: {  	v13 =	vld [tilespmem:s10+$0x4480]  }
0x138: {  	v14 =	vld [tilespmem:s10+$0xC480]  }
0x139: {  	v15 =	vld [tilespmem:s10+$0x4490]  }
0x13a: {  	v16 =	vld [tilespmem:s10+$0xC490]  }
0x13b: {  	v17 =	vld [tilespmem:s10+$0x44A0]  }
0x13c: {  	v18 =	vld [tilespmem:s10+$0xC4A0]  }
0x13d: {  	v19 =	vld [tilespmem:s10+$0x44AC]  }
0x13e: {  	v20 =	vld [tilespmem:s10+$0xC4AC]  }
0x13f: {  	v21 =	vld [tilespmem:s10+$0x4500]  }
0x140: {  	v22 =	vld [tilespmem:s10+$0xC500]  }
0x141: {  	v23 =	vld [tilespmem:s10+$0x4510]  }
0x142: {  	v24 =	vld [tilespmem:s10+$0xC510]  }
0x143: {  	v25 =	vld [tilespmem:s10+$0x4520]  }
0x144: {  	v26 =	vld [tilespmem:s10+$0xC520]  }
0x145: {  	v27 =	vld [tilespmem:s10+$0x452C]  }
0x146: {  	v28 =	vld [tilespmem:s10+$0xC52C]  }
0x147: {  	v29 =	vld [tilespmem:s10+$0x4580]  }
0x148: {  	v30 =	vld [tilespmem:s10+$0xC580]  }
0x149: {  	v31 =	vld [tilespmem:s10+$0x4590]  }
0x14a: {  	v32 =	vld [tilespmem:s10+$0xC590]  }
0x14b: {  	v33 =	vld [tilespmem:s10+$0x45A0]  }
0x14c: {  	v51 =	vld [tilespmem:s10+$0xC610];
	v1 =	vadd.f32 v2, v1  }
0x14d: {  	v52 =	vld [tilespmem:s10+$0x4620];
	v3 =	vadd.f32 v4, v3  }
0x14e: {  	v53 =	vld [tilespmem:s10+$0xC620];
	[tilespmem:s10+$0x147A0] =	vst v1;
	v1 =	vadd.f32 v6, v5  }
0x14f: {  	v54 =	vld [tilespmem:s10+$0x462C];
	[tilespmem:s10+$0x147AC] =	vst v3;
	v3 =	vadd.f32 v8, v7  }
0x150: {  	v55 =	vld [tilespmem:s10+$0xC62C];
	[tilespmem:s10+$0x14400] =	vst v1;
	v1 =	vadd.f32 v10, v9  }
0x151: {  	v56 =	vld [tilespmem:s10+$0x4680];
	[tilespmem:s10+$0x14410] =	vst v3;
	v3 =	vadd.f32 v12, v11  }
0x152: {  	v57 =	vld [tilespmem:s10+$0xC680];
	[tilespmem:s10+$0x14420] =	vst v1;
	v1 =	vadd.f32 v14, v13  }
0x153: {  	v58 =	vld [tilespmem:s10+$0x4690];
	[tilespmem:s10+$0x1442C] =	vst v3;
	v3 =	vadd.f32 v16, v15  }
0x154: {  	v59 =	vld [tilespmem:s10+$0xC690];
	[tilespmem:s10+$0x14480] =	vst v1;
	v1 =	vadd.f32 v18, v17  }
0x155: {  	v2 =	vld [tilespmem:s10+$0xC5A0];
	[tilespmem:s10+$0x14490] =	vst v3;
	v3 =	vadd.f32 v20, v19  }
0x156: {  	v4 =	vld [tilespmem:s10+$0x45AC];
	[tilespmem:s10+$0x144A0] =	vst v1;
	v1 =	vadd.f32 v22, v21  }
0x157: {  	v5 =	vld [tilespmem:s10+$0xC5AC];
	[tilespmem:s10+$0x144AC] =	vst v3;
	v3 =	vadd.f32 v24, v23  }
0x158: {  	v6 =	vld [tilespmem:s10+$0x4600];
	[tilespmem:s10+$0x14500] =	vst v1;
	v1 =	vadd.f32 v26, v25  }
0x159: {  	v7 =	vld [tilespmem:s10+$0xC600];
	[tilespmem:s10+$0x14510] =	vst v3;
	v3 =	vadd.f32 v28, v27  }
0x15a: {  	v8 =	vld [tilespmem:s10+$0x4610];
	[tilespmem:s10+$0x14520] =	vst v1;
	v1 =	vadd.f32 v30, v29  }
0x15b: {  	v60 =	vld [tilespmem:s10+$0x46A0];
	[tilespmem:s10+$0x1452C] =	vst v3;
	v3 =	vadd.f32 v32, v31  }
0x15c: {  	v61 =	vld [tilespmem:s10+$0xC710];
	[tilespmem:s10+$0x14580] =	vst v1;
	v1 =	vadd.f32 v2, v33  }
0x15d: {  	v2 =	vld [tilespmem:s10+$0xC6A0];
	[tilespmem:s10+$0x14590] =	vst v3;
	v3 =	vadd.f32 v5, v4  }
0x15e: {  	v4 =	vld [tilespmem:s10+$0x46AC];
	[tilespmem:s10+$0x145A0] =	vst v1;
	v1 =	vadd.f32 v7, v6  }
0x15f: {  	v5 =	vld [tilespmem:s10+$0xC6AC];
	[tilespmem:s10+$0x145AC] =	vst v3;
	v3 =	vadd.f32 v51, v8  }
0x160: {  	v6 =	vld [tilespmem:s10+$0x4700];
	[tilespmem:s10+$0x14600] =	vst v1;
	v1 =	vadd.f32 v53, v52  }
0x161: {  	v7 =	vld [tilespmem:s10+$0xC700];
	[tilespmem:s10+$0x14610] =	vst v3;
	v3 =	vadd.f32 v55, v54  }
0x162: {  	v8 =	vld [tilespmem:s10+$0x4710];
	v2 =	vadd.f32 v2, v60;
	[tilespmem:s10+$0x14620] =	vst v1  }
0x163: {  	v62 =	vld [tilespmem:s10+$0x4720];
	v1 =	vadd.f32 v57, v56;
	[tilespmem:s10+$0x1462C] =	vst v3  }
0x164: {  	v63 =	vld [tilespmem:s10+$0xC720];
	v3 =	vadd.f32 v59, v58;
	[tilespmem:s10+$0x146A0] =	vst v2  }
0x165: {  	v4 =	vadd.f32 v5, v4;
	[tilespmem:s10+$0x14680] =	vst v1;
	v1 =	vld [tilespmem:s10+$0x472C]  }
0x166: {  	v5 =	vadd.f32 v7, v6;
	[tilespmem:s10+$0x14690] =	vst v3;
	v3 =	vld [tilespmem:s10+$0xC72C]  }
0x167: {  	v2 =	vld [tilespmem:s10+$0x4780];
	[tilespmem:s10+$0x146AC] =	vst v4;
	v4 =	vadd.f32 v61, v8  }
0x168: {  	[tilespmem:s10+$0x14700] =	vst v5;
	v5 =	vld [tilespmem:s10+$0xC780]  }
0x169: {  	s11 =	simm.s32 $0x0;
	s12 =	simm.s32 $0x1000;
	v6 =	vadd.f32 v63, v62;
	[tilespmem:s10+$0x14710] =	vst v4;
	v4 =	vld [tilespmem:s10+$0x4790]  }
.LBB2_13:
0x16a: {  	s13 =	sshra.s32 s12, $0x2;
	v7 =	vld [tilespmem:s10+$0xC790]  }
0x16b: {  	v8 =	vld [tilespmem:s13+$0x47A0];
	[tilespmem:s10+$0x14720] =	vst v6;
	v1 =	vadd.f32 v3, v1  }
0x16c: {  	v3 =	vld [tilespmem:s13+$0xC7A0]  }
0x16d: {  	s11 =	sadd.s32 $0x8, s11;
	v6 =	vld [tilespmem:s13+$0x47AC];
	[tilespmem:s10+$0x1472C] =	vst v1;
	v1 =	vadd.f32 v5, v2  }
0x16e: {  	p0 =	slt.u32 s11, $0x78;
	v2 =	vld [tilespmem:s13+$0xC7AC]  }
0x16f: {  	v5 =	vld [tilespmem:s13+$0x4400];
	[tilespmem:s10+$0x14780] =	vst v1;
	v1 =	vadd.f32 v7, v4  }
0x170: {  	v4 =	vld [tilespmem:s13+$0xC400]  }
0x171: {  	v7 =	vld [tilespmem:s13+$0x4410];
	[tilespmem:s10+$0x14790] =	vst v1;
	s10 =	smov.u32 s13  }
0x172: {  	v3 =	vadd.f32 v3, v8;
	v1 =	vld [tilespmem:s10+$0xC410]  }
0x173: {  	v8 =	vld [tilespmem:s10+$0x4420];
	v2 =	vadd.f32 v2, v6  }
0x174: {  	v6 =	vld [tilespmem:s10+$0xC420];
	[tilespmem:s10+$0x147A0] =	vst v3  }
0x175: {  	v3 =	vadd.f32 v4, v5;
	v4 =	vld [tilespmem:s10+$0x442C];
	[tilespmem:s10+$0x147AC] =	vst v2  }
0x176: {  	v2 =	vld [tilespmem:s10+$0xC42C]  }
0x177: {  	[tilespmem:s10+$0x14400] =	vst v3;
	v1 =	vadd.f32 v1, v7;
	v3 =	vld [tilespmem:s10+$0x4480]  }
0x178: {  	v5 =	vld [tilespmem:s10+$0xC480]  }
0x179: {  	[tilespmem:s10+$0x14410] =	vst v1;
	v1 =	vadd.f32 v6, v8;
	v6 =	vld [tilespmem:s10+$0x4490]  }
0x17a: {  	v7 =	vld [tilespmem:s10+$0xC490]  }
0x17b: {  	[tilespmem:s10+$0x14420] =	vst v1;
	v1 =	vadd.f32 v2, v4;
	v2 =	vld [tilespmem:s10+$0x44A0]  }
0x17c: {  	v4 =	vld [tilespmem:s10+$0xC4A0]  }
0x17d: {  	[tilespmem:s10+$0x1442C] =	vst v1;
	v1 =	vadd.f32 v5, v3;
	v3 =	vld [tilespmem:s10+$0x44AC]  }
0x17e: {  	v5 =	vld [tilespmem:s10+$0xC4AC]  }
0x17f: {  	[tilespmem:s10+$0x14480] =	vst v1;
	v1 =	vadd.f32 v7, v6;
	v6 =	vld [tilespmem:s10+$0x4500]  }
0x180: {  	v7 =	vld [tilespmem:s10+$0xC500]  }
0x181: {  	[tilespmem:s10+$0x14490] =	vst v1;
	v1 =	vadd.f32 v4, v2;
	v2 =	vld [tilespmem:s10+$0x4510]  }
0x182: {  	v4 =	vld [tilespmem:s10+$0xC510]  }
0x183: {  	[tilespmem:s10+$0x144A0] =	vst v1;
	v1 =	vadd.f32 v5, v3;
	v3 =	vld [tilespmem:s10+$0x4520]  }
0x184: {  	v5 =	vld [tilespmem:s10+$0xC520]  }
0x185: {  	[tilespmem:s10+$0x144AC] =	vst v1;
	v1 =	vadd.f32 v7, v6;
	v6 =	vld [tilespmem:s10+$0x452C]  }
0x186: {  	v7 =	vld [tilespmem:s10+$0xC52C]  }
0x187: {  	[tilespmem:s10+$0x14500] =	vst v1;
	v1 =	vadd.f32 v4, v2;
	v2 =	vld [tilespmem:s10+$0x4580]  }
0x188: {  	v4 =	vld [tilespmem:s10+$0xC580]  }
0x189: {  	[tilespmem:s10+$0x14510] =	vst v1;
	v1 =	vadd.f32 v5, v3;
	v3 =	vld [tilespmem:s10+$0x4590]  }
0x18a: {  	v5 =	vld [tilespmem:s10+$0xC590]  }
0x18b: {  	[tilespmem:s10+$0x14520] =	vst v1;
	v1 =	vadd.f32 v7, v6;
	v6 =	vld [tilespmem:s10+$0x45A0]  }
0x18c: {  	v7 =	vld [tilespmem:s10+$0xC5A0]  }
0x18d: {  	[tilespmem:s10+$0x1452C] =	vst v1;
	v1 =	vadd.f32 v4, v2;
	v2 =	vld [tilespmem:s10+$0x45AC]  }
0x18e: {  	v4 =	vld [tilespmem:s10+$0xC5AC]  }
0x18f: {  	[tilespmem:s10+$0x14580] =	vst v1;
	v1 =	vadd.f32 v5, v3;
	v3 =	vld [tilespmem:s10+$0x4600]  }
0x190: {  	v5 =	vld [tilespmem:s10+$0xC600]  }
0x191: {  	[tilespmem:s10+$0x14590] =	vst v1;
	v1 =	vadd.f32 v7, v6;
	v6 =	vld [tilespmem:s10+$0x4610]  }
0x192: {  	v7 =	vld [tilespmem:s10+$0xC610]  }
0x193: {  	[tilespmem:s10+$0x145A0] =	vst v1;
	v1 =	vadd.f32 v4, v2;
	v2 =	vld [tilespmem:s10+$0x4620]  }
0x194: {  	v4 =	vld [tilespmem:s10+$0xC620]  }
0x195: {  	[tilespmem:s10+$0x145AC] =	vst v1;
	v1 =	vadd.f32 v5, v3;
	v3 =	vld [tilespmem:s10+$0x462C]  }
0x196: {  	v5 =	vld [tilespmem:s10+$0xC62C]  }
0x197: {  	[tilespmem:s10+$0x14600] =	vst v1;
	v1 =	vadd.f32 v7, v6;
	v6 =	vld [tilespmem:s10+$0x4680]  }
0x198: {  	v7 =	vld [tilespmem:s10+$0xC680]  }
0x199: {  	[tilespmem:s10+$0x14610] =	vst v1;
	v1 =	vadd.f32 v4, v2;
	v2 =	vld [tilespmem:s10+$0x4690]  }
0x19a: {  	v4 =	vld [tilespmem:s10+$0xC690]  }
0x19b: {  	[tilespmem:s10+$0x14620] =	vst v1;
	v1 =	vadd.f32 v5, v3;
	v3 =	vld [tilespmem:s10+$0x46A0]  }
0x19c: {  	v5 =	vld [tilespmem:s10+$0xC6A0]  }
0x19d: {  	[tilespmem:s10+$0x1462C] =	vst v1;
	v1 =	vadd.f32 v7, v6;
	v6 =	vld [tilespmem:s10+$0x46AC]  }
0x19e: {  	v7 =	vld [tilespmem:s10+$0xC6AC]  }
0x19f: {  	[tilespmem:s10+$0x14680] =	vst v1;
	v1 =	vadd.f32 v4, v2;
	v2 =	vld [tilespmem:s10+$0x4700]  }
0x1a0: {  	v4 =	vld [tilespmem:s10+$0xC700]  }
0x1a1: {  	[tilespmem:s10+$0x14690] =	vst v1;
	v1 =	vadd.f32 v5, v3;
	v5 =	vld [tilespmem:s10+$0x4710]  }
0x1a2: {  	v8 =	vld [tilespmem:s10+$0xC710]  }
0x1a3: {  	[tilespmem:s10+$0x146A0] =	vst v1;
	v1 =	vadd.f32 v7, v6;
	v6 =	vld [tilespmem:s10+$0x4720]  }
0x1a4: {  	v7 =	vld [tilespmem:s10+$0xC720]  }
.Ltmp5:
0x1a5: {  	[tilespmem:s10+$0x146AC] =	vst v1;
	v2 =	vadd.f32 v4, v2;
	v1 =	vld [tilespmem:s10+$0x472C];
	(pc) =	sbr.rel @p0 .LBB2_13-.Ltmp5, $4  }
0x1a6: {  	v3 =	vld [tilespmem:s10+$0xC72C]  }
0x1a7: {  	[tilespmem:s10+$0x14700] =	vst v2;
	v4 =	vadd.f32 v8, v5;
	v2 =	vld [tilespmem:s10+$0x4780]  }
0x1a8: {  	v5 =	vld [tilespmem:s10+$0xC780]  }
0x1a9: {  	s12 =	sadd.s32 $0x1000, s12;
	[tilespmem:s10+$0x14710] =	vst v4;
	v6 =	vadd.f32 v7, v6;
	v4 =	vld [tilespmem:s10+$0x4790]  }
0x1aa: {  	v7 =	vld [tilespmem:s10+$0xC790];
	_ =	sdelay $0x1  }
0x1ab: {  	s24 =	sadd.s32 $0x1, s24  }
0x1ac: {  	v1 =	vadd.f32 v3, v1;
	p0 =	sne.s32 s24, $0x64  }
.Ltmp6:
0x1ad: {  	[tilespmem:s10+$0x14720] =	vst v6;
	v2 =	vadd.f32 v5, v2;
	(pc) =	sbr.rel @p0 .LBB2_4-.Ltmp6, $4  }
0x1ae: {  	[tilespmem:s10+$0x1472C] =	vst v1;
	v1 =	vadd.f32 v7, v4  }
0x1af: {  	s11 =	sshll.u32 s25, $0x4;
	[tilespmem:s10+$0x14780] =	vst v2  }
0x1b0: {  	s25 =	sadd.s32 s9, s11;
	[tilespmem:s10+$0x14790] =	vst v1  }
0x1b1: {  	[hbm4b:s25+s7] =	stream.linear.scatter [tilespmem:s2], [sflag:$0x4], $0x4000, $0x38;
	[tilespmem:$0x18400] =	vst v63  }
0x1b2: {  	s18 =	sadd.s32 $0x1, s18  }
0x1b3: {  	_ =	swait.ge [sflag:s17], $0x4000;
	p0 =	sne.s32 s18, s16  }
.Ltmp7:
0x1b4: {  	[sflag:s17] =	ssyncset.done $0x0;
	(pc) =	sbr.rel @p0 .LBB2_1-.Ltmp7, $4  }
0x1b5: {  	[sflag:s17] =	ssyncadd.s32 $0xFFFFC000  }
0x1b6: {  	_ =	swait.ge [sflag:s17], $0x4000  }
0x1b7: {  	[sflag:s17] =	ssyncset.done $0x0  }
0x1b8: {  	[sflag:s17] =	ssyncadd.s32 $0xFFFFC000  }
0x1b9: {  	_ =	sfence.sel $0x180000  }
0x1ba: {  	[bflag:$0x0] =	sbarrier.arrive $0xFFFF  }
0x1bb: {  	_ =	strace $0x90000047  }
0x1bc: {  	s0 =	stileid.u32;
	[bflag:$0x2] =	sbarrier.arrive $0xFFFF  }
0x1bd: {  	p0 =	sne.s32 s0, $0x0;
	s0 =	rddreg [dreg:$0x6]  }
0x1be: {  	s0 =	sadd.s32 @!p0 $0x100000, s0  }
0x1bf: {  	[sflag:s0] =	ssyncadd.tile.s32 @!p0 $0x1;
	_ =	shalt  }
.Lfunc_end2:
_tile_overlayer_lowered:
.L_overlay_start_2:
0x1c0: {  	(tag) =	ssettag $0x2  }
0x1c1: {  	s0 =	rddreg [dreg:$0x0];
	s2 =	stileid.u32  }
0x1c2: {  	s1 =	rddreg [dreg:$0x1];
	p0 =	sne.s32 s2, $0x0  }
0x1c3: {  	s3 =	rddreg [dreg:$0x2];
	[bflag:$0x3] =	sbarrier.arrive $0xFFFF;
	s2 =	simm.s32 @!p0 $0x1C05  }
0x1c4: {  	[timem:s3], [sflag:s2] =	dma.local @!p0 [hbm:s0], s1  }
0x1c5: {  	s0 =	simm.s32 @!p0 $0x5  }
0x1c6: {  	_ =	swait.ge @!p0 [sflag:s0], s1  }
0x1c7: {  	s1 =	ssub.s32 @!p0 $0x0, s1;
	[sflag:s0] =	ssyncset.done @!p0 $0x0  }
0x1c8: {  	[sflag:s0] =	ssyncadd.s32 @!p0 s1  }
0x1c9: {  	[bflag:$0x3] =	sbarrier.arrive $0xFFFF  }
0x1ca: {  	_ =	shalt  }

</sc_bundles>
